<compile_context>
chip_gen: v7x
topology: tpu7x:2x2x1
jax: 0.10.2.dev20260603
libtpu: 0.0.44.dev20260713+nightly
codegen_flags: <defaults>
</compile_context>

<pallas_src>
import jax
import jax.numpy as jnp
from jax import lax
from jax.experimental import pallas as pl
from jax.experimental.pallas import tpu as pltpu
from jax.experimental.pallas import tpu_sc as plsc

USER_NUM = 1000000
ITEM_NUM = 1000000
EMB_DIM = 16
BATCH = 16384

NUM_CORES = 2
NUM_SUBCORES = 16
NUM_WORKERS = NUM_CORES * NUM_SUBCORES
ROWS_PER_WORKER = BATCH // NUM_WORKERS

L = 16
PHYS_W = 128
CHUNK = 256
N_CHUNK = ROWS_PER_WORKER // CHUNK

RELAYOUT_W = 65536
PANEL = RELAYOUT_W // 8
N_BLK = -(-USER_NUM // RELAYOUT_W)
PACK_ROWS = N_BLK * PANEL
W_SHIFT = RELAYOUT_W.bit_length() - 1
P_SHIFT = PANEL.bit_length() - 1


def _sc_logits_kernel(ue2_hbm, ie2_hbm, ibias_hbm, uidx_hbm, iidx_hbm,
                      logits_hbm,
                      uhi_v, ihi_v, ulo_v, ilo_v, iraw_v, tmp_v,
                      bias_v, logits_v, ug_v, ig_v,
                      sem_u, sem_i, sem_b):
    wid = lax.axis_index("s") * NUM_CORES + lax.axis_index("c")
    base = wid * ROWS_PER_WORKER

    pltpu.sync_copy(uidx_hbm.at[pl.ds(base, ROWS_PER_WORKER)], tmp_v)
    pltpu.sync_copy(iidx_hbm.at[pl.ds(base, ROWS_PER_WORKER)], iraw_v)

    cb = pltpu.async_copy(ibias_hbm.at[iraw_v], bias_v, sem_b)

    @pl.loop(0, ROWS_PER_WORKER, step=L)
    def _(j):
        uv = tmp_v[pl.ds(j, L)]
        iv = iraw_v[pl.ds(j, L)]
        uhi_v[pl.ds(j, L)] = (jnp.right_shift(uv, W_SHIFT) * PANEL
                              + jnp.bitwise_and(uv, PANEL - 1))
        ulo_v[pl.ds(j, L)] = jnp.bitwise_and(
            jnp.right_shift(uv, P_SHIFT), 7) * EMB_DIM
        ihi_v[pl.ds(j, L)] = (jnp.right_shift(iv, W_SHIFT) * PANEL
                              + jnp.bitwise_and(iv, PANEL - 1))
        ilo_v[pl.ds(j, L)] = jnp.bitwise_and(
            jnp.right_shift(iv, P_SHIFT), 7) * EMB_DIM

    cb.wait()

    for c in range(N_CHUNK):
        cu = pltpu.async_copy(
            ue2_hbm.at[uhi_v.at[pl.ds(c * CHUNK, CHUNK)]], ug_v, sem_u)
        ci = pltpu.async_copy(
            ie2_hbm.at[ihi_v.at[pl.ds(c * CHUNK, CHUNK)]], ig_v, sem_i)
        cu.wait()
        ci.wait()

        @pl.loop(0, CHUNK, step=L)
        def _(g):
            jvec = jnp.arange(L, dtype=jnp.int32) + g
            uo = ulo_v[pl.ds(c * CHUNK + g, L)]
            io = ilo_v[pl.ds(c * CHUNK + g, L)]
            acc = bias_v[pl.ds(c * CHUNK + g, L)]
            for d in range(EMB_DIM):
                ut = plsc.load_gather(ug_v, [jvec, uo + d])
                it = plsc.load_gather(ig_v, [jvec, io + d])
                acc = acc + ut * it
            logits_v[pl.ds(c * CHUNK + g, L)] = acc

    pltpu.sync_copy(logits_v, logits_hbm.at[pl.ds(base, ROWS_PER_WORKER)])


def _sc_logits(ue2, ie2, item_bias, user, item):
    mesh = plsc.VectorSubcoreMesh(core_axis_name="c", subcore_axis_name="s")
    k = pl.kernel(
        _sc_logits_kernel,
        out_type=jax.ShapeDtypeStruct((BATCH,), jnp.float32),
        mesh=mesh,
        compiler_params=pltpu.CompilerParams(needs_layout_passes=False),
        scratch_types=[
            pltpu.VMEM((ROWS_PER_WORKER,), jnp.int32),
            pltpu.VMEM((ROWS_PER_WORKER,), jnp.int32),
            pltpu.VMEM((ROWS_PER_WORKER,), jnp.int32),
            pltpu.VMEM((ROWS_PER_WORKER,), jnp.int32),
            pltpu.VMEM((ROWS_PER_WORKER,), jnp.int32),
            pltpu.VMEM((ROWS_PER_WORKER,), jnp.int32),
            pltpu.VMEM((ROWS_PER_WORKER,), jnp.float32),
            pltpu.VMEM((ROWS_PER_WORKER,), jnp.float32),
            pltpu.VMEM((CHUNK, PHYS_W), jnp.float32),
            pltpu.VMEM((CHUNK, PHYS_W), jnp.float32),
            pltpu.SemaphoreType.DMA,
            pltpu.SemaphoreType.DMA,
            pltpu.SemaphoreType.DMA,
        ],
    )
    return k(ue2, ie2, item_bias, user, item)


def _tc_relayout_kernel(xu_ref, xi_ref, ou_ref, oi_ref):
    for x_ref, o_ref in ((xu_ref, ou_ref), (xi_ref, oi_ref)):
        x = x_ref[...]
        y = jnp.concatenate(
            [x[:, k * PANEL:(k + 1) * PANEL] for k in range(8)],
            axis=0)
        o_ref[...] = y.T


def _tc_relayout(ue_t, ie_t):
    return pl.pallas_call(
        _tc_relayout_kernel,
        grid=(N_BLK,),
        in_specs=[pl.BlockSpec((EMB_DIM, RELAYOUT_W), lambda c: (0, c)),
                  pl.BlockSpec((EMB_DIM, RELAYOUT_W), lambda c: (0, c))],
        out_specs=[pl.BlockSpec((PANEL, PHYS_W), lambda c: (c, 0)),
                   pl.BlockSpec((PANEL, PHYS_W), lambda c: (c, 0))],
        out_shape=[jax.ShapeDtypeStruct((PACK_ROWS, PHYS_W), jnp.float32),
                   jax.ShapeDtypeStruct((PACK_ROWS, PHYS_W), jnp.float32)],
    )(ue_t, ie_t)


def _tc_bce_kernel(x_ref, t_ref, o_ref):
    logits = x_ref[...]
    t = t_ref[...]
    per = (jnp.maximum(logits, 0.0) - logits * t
           + jnp.log1p(jnp.exp(-jnp.abs(logits))))
    o_ref[...] = jnp.reshape(jnp.sum(per) * (1.0 / BATCH), (1, 1))


@jax.jit
def kernel(user, item, label, user_embeddings, item_embeddings, item_bias):
    user = user.astype(jnp.int32)
    item = item.astype(jnp.int32)
    ue2, ie2 = _tc_relayout(user_embeddings.T, item_embeddings.T)
    logits = _sc_logits(ue2, ie2, item_bias, user, item)
    loss = pl.pallas_call(
        _tc_bce_kernel,
        out_shape=jax.ShapeDtypeStruct((1, 1), jnp.float32),
    )(logits.reshape(128, 128), label.reshape(128, 128))
    return loss.reshape(())

# --- scband reference (transcript-rebuilt; emitter-appended) ---
"""Pipeline reference for scband-discriminator-89266600280672 (READ-ONLY COPY).

The authoritative reference and input builder live on the scoring server;
editing this copy changes nothing except your own understanding.
"""

import jax, jax.numpy as jnp
import numpy as np

USER_NUM = 1000000
ITEM_NUM = 1000000
EMB_DIM = 16
BATCH = 16384
INITDELTA = 0.05


def setup_inputs(seed: int = 0) -> dict:
    key = jax.random.key(seed)
    k1, k2, k3, k4, k5 = jax.random.split(key, 5)
    user = jax.random.randint(k1, (BATCH,), 0, USER_NUM, dtype=jnp.int64 if jax.config.jax_enable_x64 else jnp.int32)
    item = jax.random.randint(k2, (BATCH,), 0, ITEM_NUM, dtype=jnp.int64 if jax.config.jax_enable_x64 else jnp.int32)
    label = jax.random.uniform(k3, (BATCH,), dtype=jnp.float32)
    # learned parameters; torch init uniform_(a=initdelta, b=-initdelta) -> uniform in [-initdelta, initdelta]
    user_embeddings = jax.random.uniform(k4, (USER_NUM, EMB_DIM), dtype=jnp.float32, minval=-INITDELTA, maxval=INITDELTA)
    item_embeddings = jax.random.uniform(k5, (ITEM_NUM, EMB_DIM), dtype=jnp.float32, minval=-INITDELTA, maxval=INITDELTA)
    item_bias = jnp.zeros((ITEM_NUM,), dtype=jnp.float32)
    return {"user": user, "item": item, "label": label,
            "user_embeddings": user_embeddings, "item_embeddings": item_embeddings,
            "item_bias": item_bias}


def _bce_with_logits(logits, targets):
    # mean over batch, matching F.binary_cross_entropy_with_logits default reduction
    per = jnp.maximum(logits, 0.0) - logits * targets + jnp.log1p(jnp.exp(-jnp.abs(logits)))
    return jnp.mean(per)


def reference(user, item, label, user_embeddings, item_embeddings, item_bias):
    u_emb = jnp.take(user_embeddings, user, axis=0)   # [B, D] gather
    i_emb = jnp.take(item_embeddings, item, axis=0)   # [B, D] gather
    i_bias = jnp.take(item_bias, item, axis=0)        # [B] gather
    pre_logits = jnp.sum(u_emb * i_emb, axis=1) + i_bias
    pre_loss = _bce_with_logits(pre_logits, label)
    return pre_loss

if __name__ == "__main__":
    import jax
    _d = setup_inputs()
    print(jax.jit(kernel)(*tuple(_d.values())))

</pallas_src>

<mosaic_0001>
#map = affine_map<(d0, d1) -> (0, 0)>
#map1 = affine_map<(d0, d1) -> (0)>
module attributes {stable_mosaic.version = 14 : i64} {
  func.func @_sc_logits_kernel(%arg0: i32, %arg1: i32, %arg2: memref<131072x128xf32, #tpu.memory_space<hbm>>, %arg3: memref<131072x128xf32, #tpu.memory_space<hbm>>, %arg4: memref<1000000xf32, #tpu.memory_space<hbm>>, %arg5: memref<16384xi32, #tpu.memory_space<hbm>>, %arg6: memref<16384xi32, #tpu.memory_space<hbm>>, %arg7: memref<16384xf32, #tpu.memory_space<hbm>>, %arg8: memref<512xi32, #tpu.memory_space<vmem>>, %arg9: memref<512xi32, #tpu.memory_space<vmem>>, %arg10: memref<512xi32, #tpu.memory_space<vmem>>, %arg11: memref<512xi32, #tpu.memory_space<vmem>>, %arg12: memref<512xi32, #tpu.memory_space<vmem>>, %arg13: memref<512xi32, #tpu.memory_space<vmem>>, %arg14: memref<512xf32, #tpu.memory_space<vmem>>, %arg15: memref<512xf32, #tpu.memory_space<vmem>>, %arg16: memref<256x128xf32, #tpu.memory_space<vmem>>, %arg17: memref<256x128xf32, #tpu.memory_space<vmem>>, %arg18: memref<!tpu.dma_semaphore, #tpu.memory_space<semaphore_mem>>, %arg19: memref<!tpu.dma_semaphore, #tpu.memory_space<semaphore_mem>>, %arg20: memref<!tpu.dma_semaphore, #tpu.memory_space<semaphore_mem>>) attributes {dimension_semantics = [#tpu.dimension_semantics<core_parallel>, #tpu.dimension_semantics<subcore_parallel>], iteration_bounds = array<i64: 2, 16>, scalar_prefetch = 0 : i64, scratch_operands = 13 : i64, tpu.core_type = #tpu.core_type<sc_vector_subcore>, window_params = [{transform_indices = #map}, {transform_indices = #map}, {transform_indices = #map1}, {transform_indices = #map1}, {transform_indices = #map1}, {transform_indices = #map1}]} {
    %mul3A = arith.constant 2 : i32
    %mul3A_0 = arith.muli %arg1, %mul3A : i32
    %add3A = arith.addi %mul3A_0, %arg0 : i32
    %mul3A_1 = arith.constant 512 : i32
    %mul3A_2 = arith.muli %add3A, %mul3A_1 : i32
    "tpu.region"() ({
      %run_scoped3A = tpu.sem_alloc : memref<!tpu.dma_semaphore, #tpu.memory_space<semaphore_mem>>
      %dma_start3A_59 = tpu.memref_slice %arg5[%mul3A_2] : memref<16384xi32, #tpu.memory_space<hbm>> -> memref<512xi32, #tpu.memory_space<hbm>>
      %dma_start3A_60 = tpu.memref_slice %arg5[%mul3A_2] : memref<16384xi32, #tpu.memory_space<hbm>> -> memref<512xi32, #tpu.memory_space<hbm>>
      tpu.enqueue_dma source(%dma_start3A_60 : memref<512xi32, #tpu.memory_space<hbm>>) target(%arg13 : memref<512xi32, #tpu.memory_space<vmem>>) target_semaphore(%run_scoped3A : memref<!tpu.dma_semaphore, #tpu.memory_space<semaphore_mem>>)
      %dma_wait3A_61 = tpu.memref_slice %arg5[%mul3A_2] : memref<16384xi32, #tpu.memory_space<hbm>> -> memref<512xi32, #tpu.memory_space<hbm>>
      %dma_wait3A_62 = tpu.memref_slice %arg5[%mul3A_2] : memref<16384xi32, #tpu.memory_space<hbm>> -> memref<512xi32, #tpu.memory_space<hbm>>
      tpu.wait_dma2 semaphore(%run_scoped3A : memref<!tpu.dma_semaphore, #tpu.memory_space<semaphore_mem>>) src(%dma_wait3A_62 : memref<512xi32, #tpu.memory_space<hbm>>) dst(%arg13 : memref<512xi32, #tpu.memory_space<vmem>>)
      tpu.yield
    }) : () -> ()
    "tpu.region"() ({
      %run_scoped3A = tpu.sem_alloc : memref<!tpu.dma_semaphore, #tpu.memory_space<semaphore_mem>>
      %dma_start3A_59 = tpu.memref_slice %arg6[%mul3A_2] : memref<16384xi32, #tpu.memory_space<hbm>> -> memref<512xi32, #tpu.memory_space<hbm>>
      %dma_start3A_60 = tpu.memref_slice %arg6[%mul3A_2] : memref<16384xi32, #tpu.memory_space<hbm>> -> memref<512xi32, #tpu.memory_space<hbm>>
      tpu.enqueue_dma source(%dma_start3A_60 : memref<512xi32, #tpu.memory_space<hbm>>) target(%arg12 : memref<512xi32, #tpu.memory_space<vmem>>) target_semaphore(%run_scoped3A : memref<!tpu.dma_semaphore, #tpu.memory_space<semaphore_mem>>)
      %dma_wait3A_61 = tpu.memref_slice %arg6[%mul3A_2] : memref<16384xi32, #tpu.memory_space<hbm>> -> memref<512xi32, #tpu.memory_space<hbm>>
      %dma_wait3A_62 = tpu.memref_slice %arg6[%mul3A_2] : memref<16384xi32, #tpu.memory_space<hbm>> -> memref<512xi32, #tpu.memory_space<hbm>>
      tpu.wait_dma2 semaphore(%run_scoped3A : memref<!tpu.dma_semaphore, #tpu.memory_space<semaphore_mem>>) src(%dma_wait3A_62 : memref<512xi32, #tpu.memory_space<hbm>>) dst(%arg12 : memref<512xi32, #tpu.memory_space<vmem>>)
      tpu.yield
    }) : () -> ()
    %dma_start3A = arith.constant 0 : i32
    %dma_start3A_3 = tpu.memref_slice %arg4[%dma_start3A] : memref<1000000xf32, #tpu.memory_space<hbm>> -> memref<1000000xf32, #tpu.memory_space<hbm>>
    tpu.enqueue_indirect_dma source(%dma_start3A_3 : memref<1000000xf32, #tpu.memory_space<hbm>>) target(%arg14 : memref<512xf32, #tpu.memory_space<vmem>>) offsets(%arg12 : memref<512xi32, #tpu.memory_space<vmem>>) semaphore(%arg20 : memref<!tpu.dma_semaphore, #tpu.memory_space<semaphore_mem>>)
    %scan3A = arith.constant 0 : i32
    %scan3A_4 = arith.constant 32 : i32
    %scan3A_5 = arith.addi %scan3A, %scan3A_4 : i32
    %scan3A_6 = arith.constant 1 : i32
    scf.for %scan3A_59 = %scan3A to %scan3A_5 step %scan3A_6  : i32 {
      %mul3A_60 = arith.constant 16 : i32
      %mul3A_61 = arith.muli %scan3A_59, %mul3A_60 : i32
      %add3A_62 = arith.constant 0 : i32
      %add3A_63 = arith.addi %add3A_62, %mul3A_61 : i32
      %get3A = arith.index_cast %add3A_63 : i32 to index
      %get3A_64 = tpu.vector_load %arg13[%get3A] {strides = array<i32>} : memref<512xi32, #tpu.memory_space<vmem>>, vector<16xi32>,
      %get3A_65 = arith.index_cast %add3A_63 : i32 to index
      %get3A_66 = tpu.vector_load %arg12[%get3A_65] {strides = array<i32>} : memref<512xi32, #tpu.memory_space<vmem>>, vector<16xi32>,
      %shift_right_arithmetic3A = arith.constant 16 : i32
      %shift_right_arithmetic3A_67 = vector.broadcast %shift_right_arithmetic3A : i32 to vector<16xi32>
      %shift_right_arithmetic3A_68 = arith.shrsi %get3A_64, %shift_right_arithmetic3A_67 : vector<16xi32>
      %mul3A_69 = arith.constant 8192 : i32
      %mul3A_70 = vector.broadcast %mul3A_69 : i32 to vector<16xi32>
      %mul3A_71 = arith.muli %shift_right_arithmetic3A_68, %mul3A_70 : vector<16xi32>
      %and3A = arith.constant 8191 : i32
      %and3A_72 = vector.broadcast %and3A : i32 to vector<16xi32>
      %and3A_73 = arith.andi %get3A_64, %and3A_72 : vector<16xi32>
      %add3A_74 = arith.addi %mul3A_71, %and3A_73 : vector<16xi32>
      %swap3A = arith.index_cast %add3A_63 : i32 to index
      %swap3A_75 = tpu.vector_load %arg8[%swap3A] {strides = array<i32>} : memref<512xi32, #tpu.memory_space<vmem>>, vector<16xi32>,
      tpu.vector_store %arg8[%swap3A], %add3A_74 {strides = array<i32>} : memref<512xi32, #tpu.memory_space<vmem>>, vector<16xi32>,
      %shift_right_arithmetic3A_76 = arith.constant 13 : i32
      %shift_right_arithmetic3A_77 = vector.broadcast %shift_right_arithmetic3A_76 : i32 to vector<16xi32>
      %shift_right_arithmetic3A_78 = arith.shrsi %get3A_64, %shift_right_arithmetic3A_77 : vector<16xi32>
      %and3A_79 = arith.constant 7 : i32
      %and3A_80 = vector.broadcast %and3A_79 : i32 to vector<16xi32>
      %and3A_81 = arith.andi %shift_right_arithmetic3A_78, %and3A_80 : vector<16xi32>
      %mul3A_82 = arith.constant 16 : i32
      %mul3A_83 = vector.broadcast %mul3A_82 : i32 to vector<16xi32>
      %mul3A_84 = arith.muli %and3A_81, %mul3A_83 : vector<16xi32>
      %swap3A_85 = arith.index_cast %add3A_63 : i32 to index
      %swap3A_86 = tpu.vector_load %arg10[%swap3A_85] {strides = array<i32>} : memref<512xi32, #tpu.memory_space<vmem>>, vector<16xi32>,
      tpu.vector_store %arg10[%swap3A_85], %mul3A_84 {strides = array<i32>} : memref<512xi32, #tpu.memory_space<vmem>>, vector<16xi32>,
      %shift_right_arithmetic3A_87 = arith.constant 16 : i32
      %shift_right_arithmetic3A_88 = vector.broadcast %shift_right_arithmetic3A_87 : i32 to vector<16xi32>
      %shift_right_arithmetic3A_89 = arith.shrsi %get3A_66, %shift_right_arithmetic3A_88 : vector<16xi32>
      %mul3A_90 = arith.constant 8192 : i32
      %mul3A_91 = vector.broadcast %mul3A_90 : i32 to vector<16xi32>
      %mul3A_92 = arith.muli %shift_right_arithmetic3A_89, %mul3A_91 : vector<16xi32>
      %and3A_93 = arith.constant 8191 : i32
      %and3A_94 = vector.broadcast %and3A_93 : i32 to vector<16xi32>
      %and3A_95 = arith.andi %get3A_66, %and3A_94 : vector<16xi32>
      %add3A_96 = arith.addi %mul3A_92, %and3A_95 : vector<16xi32>
      %swap3A_97 = arith.index_cast %add3A_63 : i32 to index
      %swap3A_98 = tpu.vector_load %arg9[%swap3A_97] {strides = array<i32>} : memref<512xi32, #tpu.memory_space<vmem>>, vector<16xi32>,
      tpu.vector_store %arg9[%swap3A_97], %add3A_96 {strides = array<i32>} : memref<512xi32, #tpu.memory_space<vmem>>, vector<16xi32>,
      %shift_right_arithmetic3A_99 = arith.constant 13 : i32
      %shift_right_arithmetic3A_100 = vector.broadcast %shift_right_arithmetic3A_99 : i32 to vector<16xi32>
      %shift_right_arithmetic3A_101 = arith.shrsi %get3A_66, %shift_right_arithmetic3A_100 : vector<16xi32>
      %and3A_102 = arith.constant 7 : i32
      %and3A_103 = vector.broadcast %and3A_102 : i32 to vector<16xi32>
      %and3A_104 = arith.andi %shift_right_arithmetic3A_101, %and3A_103 : vector<16xi32>
      %mul3A_105 = arith.constant 16 : i32
      %mul3A_106 = vector.broadcast %mul3A_105 : i32 to vector<16xi32>
      %mul3A_107 = arith.muli %and3A_104, %mul3A_106 : vector<16xi32>
      %swap3A_108 = arith.index_cast %add3A_63 : i32 to index
      %swap3A_109 = tpu.vector_load %arg11[%swap3A_108] {strides = array<i32>} : memref<512xi32, #tpu.memory_space<vmem>>, vector<16xi32>,
      tpu.vector_store %arg11[%swap3A_108], %mul3A_107 {strides = array<i32>} : memref<512xi32, #tpu.memory_space<vmem>>, vector<16xi32>,
    }
    %scan3A_7 = arith.constant 32 : i32
    %dma_wait3A = arith.constant 0 : i32
    %dma_wait3A_8 = tpu.memref_slice %arg4[%dma_wait3A] : memref<1000000xf32, #tpu.memory_space<hbm>> -> memref<1000000xf32, #tpu.memory_space<hbm>>
    tpu.wait_indirect_dma semaphore(%arg20 : memref<!tpu.dma_semaphore, #tpu.memory_space<semaphore_mem>>) src(%dma_wait3A_8 : memref<1000000xf32, #tpu.memory_space<hbm>>) dst(%arg14 : memref<512xf32, #tpu.memory_space<vmem>>)
    %dma_start3A_9 = arith.constant 0 : i32
    %dma_start3A_10 = tpu.memref_slice %arg8[%dma_start3A_9] : memref<512xi32, #tpu.memory_space<vmem>> -> memref<256xi32, #tpu.memory_space<vmem>>
    %dma_start3A_11 = arith.constant 0 : i32
    %dma_start3A_12 = arith.constant 0 : i32
    %dma_start3A_13 = tpu.memref_slice %arg2[%dma_start3A_11, %dma_start3A_12] : memref<131072x128xf32, #tpu.memory_space<hbm>> -> memref<131072x128xf32, #tpu.memory_space<hbm>>
    tpu.enqueue_indirect_dma source(%dma_start3A_13 : memref<131072x128xf32, #tpu.memory_space<hbm>>) target(%arg16 : memref<256x128xf32, #tpu.memory_space<vmem>>) offsets(%dma_start3A_10 : memref<256xi32, #tpu.memory_space<vmem>>) semaphore(%arg18 : memref<!tpu.dma_semaphore, #tpu.memory_space<semaphore_mem>>)
    %dma_start3A_14 = arith.constant 0 : i32
    %dma_start3A_15 = tpu.memref_slice %arg9[%dma_start3A_14] : memref<512xi32, #tpu.memory_space<vmem>> -> memref<256xi32, #tpu.memory_space<vmem>>
    %dma_start3A_16 = arith.constant 0 : i32
    %dma_start3A_17 = arith.constant 0 : i32
    %dma_start3A_18 = tpu.memref_slice %arg3[%dma_start3A_16, %dma_start3A_17] : memref<131072x128xf32, #tpu.memory_space<hbm>> -> memref<131072x128xf32, #tpu.memory_space<hbm>>
    tpu.enqueue_indirect_dma source(%dma_start3A_18 : memref<131072x128xf32, #tpu.memory_space<hbm>>) target(%arg17 : memref<256x128xf32, #tpu.memory_space<vmem>>) offsets(%dma_start3A_15 : memref<256xi32, #tpu.memory_space<vmem>>) semaphore(%arg19 : memref<!tpu.dma_semaphore, #tpu.memory_space<semaphore_mem>>)
    %dma_wait3A_19 = arith.constant 0 : i32
    %dma_wait3A_20 = tpu.memref_slice %arg8[%dma_wait3A_19] : memref<512xi32, #tpu.memory_space<vmem>> -> memref<256xi32, #tpu.memory_space<vmem>>
    %dma_wait3A_21 = arith.constant 0 : i32
    %dma_wait3A_22 = arith.constant 0 : i32
    %dma_wait3A_23 = tpu.memref_slice %arg2[%dma_wait3A_21, %dma_wait3A_22] : memref<131072x128xf32, #tpu.memory_space<hbm>> -> memref<131072x128xf32, #tpu.memory_space<hbm>>
    tpu.wait_indirect_dma semaphore(%arg18 : memref<!tpu.dma_semaphore, #tpu.memory_space<semaphore_mem>>) src(%dma_wait3A_23 : memref<131072x128xf32, #tpu.memory_space<hbm>>) dst(%arg16 : memref<256x128xf32, #tpu.memory_space<vmem>>)
    %dma_wait3A_24 = arith.constant 0 : i32
    %dma_wait3A_25 = tpu.memref_slice %arg9[%dma_wait3A_24] : memref<512xi32, #tpu.memory_space<vmem>> -> memref<256xi32, #tpu.memory_space<vmem>>
    %dma_wait3A_26 = arith.constant 0 : i32
    %dma_wait3A_27 = arith.constant 0 : i32
    %dma_wait3A_28 = tpu.memref_slice %arg3[%dma_wait3A_26, %dma_wait3A_27] : memref<131072x128xf32, #tpu.memory_space<hbm>> -> memref<131072x128xf32, #tpu.memory_space<hbm>>
    tpu.wait_indirect_dma semaphore(%arg19 : memref<!tpu.dma_semaphore, #tpu.memory_space<semaphore_mem>>) src(%dma_wait3A_28 : memref<131072x128xf32, #tpu.memory_space<hbm>>) dst(%arg17 : memref<256x128xf32, #tpu.memory_space<vmem>>)
    %scan3A_29 = arith.constant 0 : i32
    %scan3A_30 = arith.constant 16 : i32
    %scan3A_31 = arith.addi %scan3A_29, %scan3A_30 : i32
    %scan3A_32 = arith.constant 1 : i32
    scf.for %scan3A_59 = %scan3A_29 to %scan3A_31 step %scan3A_32  : i32 {
      %mul3A_60 = arith.constant 16 : i32
      %mul3A_61 = arith.muli %scan3A_59, %mul3A_60 : i32
      %add3A_62 = arith.constant 0 : i32
      %add3A_63 = arith.addi %add3A_62, %mul3A_61 : i32
      %iota3A = tpu.iota {dimensions = array<i32: 0>} : vector<16xi32>
      %add3A_64 = vector.broadcast %add3A_63 : i32 to vector<16xi32>
      %add3A_65 = arith.addi %iota3A, %add3A_64 : vector<16xi32>
      %add3A_66 = arith.constant 0 : i32
      %add3A_67 = arith.addi %add3A_66, %add3A_63 : i32
      %get3A = arith.index_cast %add3A_67 : i32 to index
      %get3A_68 = tpu.vector_load %arg10[%get3A] {strides = array<i32>} : memref<512xi32, #tpu.memory_space<vmem>>, vector<16xi32>,
      %add3A_69 = arith.constant 0 : i32
      %add3A_70 = arith.addi %add3A_69, %add3A_63 : i32
      %get3A_71 = arith.index_cast %add3A_70 : i32 to index
      %get3A_72 = tpu.vector_load %arg11[%get3A_71] {strides = array<i32>} : memref<512xi32, #tpu.memory_space<vmem>>, vector<16xi32>,
      %add3A_73 = arith.constant 0 : i32
      %add3A_74 = arith.addi %add3A_73, %add3A_63 : i32
      %get3A_75 = arith.index_cast %add3A_74 : i32 to index
      %get3A_76 = tpu.vector_load %arg14[%get3A_75] {strides = array<i32>} : memref<512xf32, #tpu.memory_space<vmem>>, vector<16xf32>,
      %add3A_77 = arith.constant 0 : i32
      %add3A_78 = vector.broadcast %add3A_77 : i32 to vector<16xi32>
      %add3A_79 = arith.addi %get3A_68, %add3A_78 : vector<16xi32>
      %gather3A = tpu.vector_load_idx %arg16[%add3A_65, %add3A_79] : memref<256x128xf32, #tpu.memory_space<vmem>>[vector<16xi32>, vector<16xi32>], vector<16xf32>,
      %add3A_80 = arith.constant 0 : i32
      %add3A_81 = vector.broadcast %add3A_80 : i32 to vector<16xi32>
      %add3A_82 = arith.addi %get3A_72, %add3A_81 : vector<16xi32>
      %gather3A_83 = tpu.vector_load_idx %arg17[%add3A_65, %add3A_82] : memref<256x128xf32, #tpu.memory_space<vmem>>[vector<16xi32>, vector<16xi32>], vector<16xf32>,
      %mul3A_84 = arith.mulf %gather3A, %gather3A_83 : vector<16xf32>
      %add3A_85 = arith.addf %get3A_76, %mul3A_84 : vector<16xf32>
      %add3A_86 = arith.constant 1 : i32
      %add3A_87 = vector.broadcast %add3A_86 : i32 to vector<16xi32>
      %add3A_88 = arith.addi %get3A_68, %add3A_87 : vector<16xi32>
      %gather3A_89 = tpu.vector_load_idx %arg16[%add3A_65, %add3A_88] : memref<256x128xf32, #tpu.memory_space<vmem>>[vector<16xi32>, vector<16xi32>], vector<16xf32>,
      %add3A_90 = arith.constant 1 : i32
      %add3A_91 = vector.broadcast %add3A_90 : i32 to vector<16xi32>
      %add3A_92 = arith.addi %get3A_72, %add3A_91 : vector<16xi32>
      %gather3A_93 = tpu.vector_load_idx %arg17[%add3A_65, %add3A_92] : memref<256x128xf32, #tpu.memory_space<vmem>>[vector<16xi32>, vector<16xi32>], vector<16xf32>,
      %mul3A_94 = arith.mulf %gather3A_89, %gather3A_93 : vector<16xf32>
      %add3A_95 = arith.addf %add3A_85, %mul3A_94 : vector<16xf32>
      %add3A_96 = arith.constant 2 : i32
      %add3A_97 = vector.broadcast %add3A_96 : i32 to vector<16xi32>
      %add3A_98 = arith.addi %get3A_68, %add3A_97 : vector<16xi32>
      %gather3A_99 = tpu.vector_load_idx %arg16[%add3A_65, %add3A_98] : memref<256x128xf32, #tpu.memory_space<vmem>>[vector<16xi32>, vector<16xi32>], vector<16xf32>,
      %add3A_100 = arith.constant 2 : i32
      %add3A_101 = vector.broadcast %add3A_100 : i32 to vector<16xi32>
      %add3A_102 = arith.addi %get3A_72, %add3A_101 : vector<16xi32>
      %gather3A_103 = tpu.vector_load_idx %arg17[%add3A_65, %add3A_102] : memref<256x128xf32, #tpu.memory_space<vmem>>[vector<16xi32>, vector<16xi32>], vector<16xf32>,
      %mul3A_104 = arith.mulf %gather3A_99, %gather3A_103 : vector<16xf32>
      %add3A_105 = arith.addf %add3A_95, %mul3A_104 : vector<16xf32>
      %add3A_106 = arith.constant 3 : i32
      %add3A_107 = vector.broadcast %add3A_106 : i32 to vector<16xi32>
      %add3A_108 = arith.addi %get3A_68, %add3A_107 : vector<16xi32>
      %gather3A_109 = tpu.vector_load_idx %arg16[%add3A_65, %add3A_108] : memref<256x128xf32, #tpu.memory_space<vmem>>[vector<16xi32>, vector<16xi32>], vector<16xf32>,
      %add3A_110 = arith.constant 3 : i32
      %add3A_111 = vector.broadcast %add3A_110 : i32 to vector<16xi32>
      %add3A_112 = arith.addi %get3A_72, %add3A_111 : vector<16xi32>
      %gather3A_113 = tpu.vector_load_idx %arg17[%add3A_65, %add3A_112] : memref<256x128xf32, #tpu.memory_space<vmem>>[vector<16xi32>, vector<16xi32>], vector<16xf32>,
      %mul3A_114 = arith.mulf %gather3A_109, %gather3A_113 : vector<16xf32>
      %add3A_115 = arith.addf %add3A_105, %mul3A_114 : vector<16xf32>
      %add3A_116 = arith.constant 4 : i32
      %add3A_117 = vector.broadcast %add3A_116 : i32 to vector<16xi32>
      %add3A_118 = arith.addi %get3A_68, %add3A_117 : vector<16xi32>
      %gather3A_119 = tpu.vector_load_idx %arg16[%add3A_65, %add3A_118] : memref<256x128xf32, #tpu.memory_space<vmem>>[vector<16xi32>, vector<16xi32>], vector<16xf32>,
      %add3A_120 = arith.constant 4 : i32
      %add3A_121 = vector.broadcast %add3A_120 : i32 to vector<16xi32>
      %add3A_122 = arith.addi %get3A_72, %add3A_121 : vector<16xi32>
      %gather3A_123 = tpu.vector_load_idx %arg17[%add3A_65, %add3A_122] : memref<256x128xf32, #tpu.memory_space<vmem>>[vector<16xi32>, vector<16xi32>], vector<16xf32>,
      %mul3A_124 = arith.mulf %gather3A_119, %gather3A_123 : vector<16xf32>
      %add3A_125 = arith.addf %add3A_115, %mul3A_124 : vector<16xf32>
      %add3A_126 = arith.constant 5 : i32
      %add3A_127 = vector.broadcast %add3A_126 : i32 to vector<16xi32>
      %add3A_128 = arith.addi %get3A_68, %add3A_127 : vector<16xi32>
      %gather3A_129 = tpu.vector_load_idx %arg16[%add3A_65, %add3A_128] : memref<256x128xf32, #tpu.memory_space<vmem>>[vector<16xi32>, vector<16xi32>], vector<16xf32>,
      %add3A_130 = arith.constant 5 : i32
      %add3A_131 = vector.broadcast %add3A_130 : i32 to vector<16xi32>
      %add3A_132 = arith.addi %get3A_72, %add3A_131 : vector<16xi32>
      %gather3A_133 = tpu.vector_load_idx %arg17[%add3A_65, %add3A_132] : memref<256x128xf32, #tpu.memory_space<vmem>>[vector<16xi32>, vector<16xi32>], vector<16xf32>,
      %mul3A_134 = arith.mulf %gather3A_129, %gather3A_133 : vector<16xf32>
      %add3A_135 = arith.addf %add3A_125, %mul3A_134 : vector<16xf32>
      %add3A_136 = arith.constant 6 : i32
      %add3A_137 = vector.broadcast %add3A_136 : i32 to vector<16xi32>
      %add3A_138 = arith.addi %get3A_68, %add3A_137 : vector<16xi32>
      %gather3A_139 = tpu.vector_load_idx %arg16[%add3A_65, %add3A_138] : memref<256x128xf32, #tpu.memory_space<vmem>>[vector<16xi32>, vector<16xi32>], vector<16xf32>,
      %add3A_140 = arith.constant 6 : i32
      %add3A_141 = vector.broadcast %add3A_140 : i32 to vector<16xi32>
      %add3A_142 = arith.addi %get3A_72, %add3A_141 : vector<16xi32>
      %gather3A_143 = tpu.vector_load_idx %arg17[%add3A_65, %add3A_142] : memref<256x128xf32, #tpu.memory_space<vmem>>[vector<16xi32>, vector<16xi32>], vector<16xf32>,
      %mul3A_144 = arith.mulf %gather3A_139, %gather3A_143 : vector<16xf32>
      %add3A_145 = arith.addf %add3A_135, %mul3A_144 : vector<16xf32>
      %add3A_146 = arith.constant 7 : i32
      %add3A_147 = vector.broadcast %add3A_146 : i32 to vector<16xi32>
      %add3A_148 = arith.addi %get3A_68, %add3A_147 : vector<16xi32>
      %gather3A_149 = tpu.vector_load_idx %arg16[%add3A_65, %add3A_148] : memref<256x128xf32, #tpu.memory_space<vmem>>[vector<16xi32>, vector<16xi32>], vector<16xf32>,
      %add3A_150 = arith.constant 7 : i32
      %add3A_151 = vector.broadcast %add3A_150 : i32 to vector<16xi32>
      %add3A_152 = arith.addi %get3A_72, %add3A_151 : vector<16xi32>
      %gather3A_153 = tpu.vector_load_idx %arg17[%add3A_65, %add3A_152] : memref<256x128xf32, #tpu.memory_space<vmem>>[vector<16xi32>, vector<16xi32>], vector<16xf32>,
      %mul3A_154 = arith.mulf %gather3A_149, %gather3A_153 : vector<16xf32>
      %add3A_155 = arith.addf %add3A_145, %mul3A_154 : vector<16xf32>
      %add3A_156 = arith.constant 8 : i32
      %add3A_157 = vector.broadcast %add3A_156 : i32 to vector<16xi32>
      %add3A_158 = arith.addi %get3A_68, %add3A_157 : vector<16xi32>
      %gather3A_159 = tpu.vector_load_idx %arg16[%add3A_65, %add3A_158] : memref<256x128xf32, #tpu.memory_space<vmem>>[vector<16xi32>, vector<16xi32>], vector<16xf32>,
      %add3A_160 = arith.constant 8 : i32
      %add3A_161 = vector.broadcast %add3A_160 : i32 to vector<16xi32>
      %add3A_162 = arith.addi %get3A_72, %add3A_161 : vector<16xi32>
      %gather3A_163 = tpu.vector_load_idx %arg17[%add3A_65, %add3A_162] : memref<256x128xf32, #tpu.memory_space<vmem>>[vector<16xi32>, vector<16xi32>], vector<16xf32>,
      %mul3A_164 = arith.mulf %gather3A_159, %gather3A_163 : vector<16xf32>
      %add3A_165 = arith.addf %add3A_155, %mul3A_164 : vector<16xf32>
      %add3A_166 = arith.constant 9 : i32
      %add3A_167 = vector.broadcast %add3A_166 : i32 to vector<16xi32>
      %add3A_168 = arith.addi %get3A_68, %add3A_167 : vector<16xi32>
      %gather3A_169 = tpu.vector_load_idx %arg16[%add3A_65, %add3A_168] : memref<256x128xf32, #tpu.memory_space<vmem>>[vector<16xi32>, vector<16xi32>], vector<16xf32>,
      %add3A_170 = arith.constant 9 : i32
      %add3A_171 = vector.broadcast %add3A_170 : i32 to vector<16xi32>
      %add3A_172 = arith.addi %get3A_72, %add3A_171 : vector<16xi32>
      %gather3A_173 = tpu.vector_load_idx %arg17[%add3A_65, %add3A_172] : memref<256x128xf32, #tpu.memory_space<vmem>>[vector<16xi32>, vector<16xi32>], vector<16xf32>,
      %mul3A_174 = arith.mulf %gather3A_169, %gather3A_173 : vector<16xf32>
      %add3A_175 = arith.addf %add3A_165, %mul3A_174 : vector<16xf32>
      %add3A_176 = arith.constant 10 : i32
      %add3A_177 = vector.broadcast %add3A_176 : i32 to vector<16xi32>
      %add3A_178 = arith.addi %get3A_68, %add3A_177 : vector<16xi32>
      %gather3A_179 = tpu.vector_load_idx %arg16[%add3A_65, %add3A_178] : memref<256x128xf32, #tpu.memory_space<vmem>>[vector<16xi32>, vector<16xi32>], vector<16xf32>,
      %add3A_180 = arith.constant 10 : i32
      %add3A_181 = vector.broadcast %add3A_180 : i32 to vector<16xi32>
      %add3A_182 = arith.addi %get3A_72, %add3A_181 : vector<16xi32>
      %gather3A_183 = tpu.vector_load_idx %arg17[%add3A_65, %add3A_182] : memref<256x128xf32, #tpu.memory_space<vmem>>[vector<16xi32>, vector<16xi32>], vector<16xf32>,
      %mul3A_184 = arith.mulf %gather3A_179, %gather3A_183 : vector<16xf32>
      %add3A_185 = arith.addf %add3A_175, %mul3A_184 : vector<16xf32>
      %add3A_186 = arith.constant 11 : i32
      %add3A_187 = vector.broadcast %add3A_186 : i32 to vector<16xi32>
      %add3A_188 = arith.addi %get3A_68, %add3A_187 : vector<16xi32>
      %gather3A_189 = tpu.vector_load_idx %arg16[%add3A_65, %add3A_188] : memref<256x128xf32, #tpu.memory_space<vmem>>[vector<16xi32>, vector<16xi32>], vector<16xf32>,
      %add3A_190 = arith.constant 11 : i32
      %add3A_191 = vector.broadcast %add3A_190 : i32 to vector<16xi32>
      %add3A_192 = arith.addi %get3A_72, %add3A_191 : vector<16xi32>
      %gather3A_193 = tpu.vector_load_idx %arg17[%add3A_65, %add3A_192] : memref<256x128xf32, #tpu.memory_space<vmem>>[vector<16xi32>, vector<16xi32>], vector<16xf32>,
      %mul3A_194 = arith.mulf %gather3A_189, %gather3A_193 : vector<16xf32>
      %add3A_195 = arith.addf %add3A_185, %mul3A_194 : vector<16xf32>
      %add3A_196 = arith.constant 12 : i32
      %add3A_197 = vector.broadcast %add3A_196 : i32 to vector<16xi32>
      %add3A_198 = arith.addi %get3A_68, %add3A_197 : vector<16xi32>
      %gather3A_199 = tpu.vector_load_idx %arg16[%add3A_65, %add3A_198] : memref<256x128xf32, #tpu.memory_space<vmem>>[vector<16xi32>, vector<16xi32>], vector<16xf32>,
      %add3A_200 = arith.constant 12 : i32
      %add3A_201 = vector.broadcast %add3A_200 : i32 to vector<16xi32>
      %add3A_202 = arith.addi %get3A_72, %add3A_201 : vector<16xi32>
      %gather3A_203 = tpu.vector_load_idx %arg17[%add3A_65, %add3A_202] : memref<256x128xf32, #tpu.memory_space<vmem>>[vector<16xi32>, vector<16xi32>], vector<16xf32>,
      %mul3A_204 = arith.mulf %gather3A_199, %gather3A_203 : vector<16xf32>
      %add3A_205 = arith.addf %add3A_195, %mul3A_204 : vector<16xf32>
      %add3A_206 = arith.constant 13 : i32
      %add3A_207 = vector.broadcast %add3A_206 : i32 to vector<16xi32>
      %add3A_208 = arith.addi %get3A_68, %add3A_207 : vector<16xi32>
      %gather3A_209 = tpu.vector_load_idx %arg16[%add3A_65, %add3A_208] : memref<256x128xf32, #tpu.memory_space<vmem>>[vector<16xi32>, vector<16xi32>], vector<16xf32>,
      %add3A_210 = arith.constant 13 : i32
      %add3A_211 = vector.broadcast %add3A_210 : i32 to vector<16xi32>
      %add3A_212 = arith.addi %get3A_72, %add3A_211 : vector<16xi32>
      %gather3A_213 = tpu.vector_load_idx %arg17[%add3A_65, %add3A_212] : memref<256x128xf32, #tpu.memory_space<vmem>>[vector<16xi32>, vector<16xi32>], vector<16xf32>,
      %mul3A_214 = arith.mulf %gather3A_209, %gather3A_213 : vector<16xf32>
      %add3A_215 = arith.addf %add3A_205, %mul3A_214 : vector<16xf32>
      %add3A_216 = arith.constant 14 : i32
      %add3A_217 = vector.broadcast %add3A_216 : i32 to vector<16xi32>
      %add3A_218 = arith.addi %get3A_68, %add3A_217 : vector<16xi32>
      %gather3A_219 = tpu.vector_load_idx %arg16[%add3A_65, %add3A_218] : memref<256x128xf32, #tpu.memory_space<vmem>>[vector<16xi32>, vector<16xi32>], vector<16xf32>,
      %add3A_220 = arith.constant 14 : i32
      %add3A_221 = vector.broadcast %add3A_220 : i32 to vector<16xi32>
      %add3A_222 = arith.addi %get3A_72, %add3A_221 : vector<16xi32>
      %gather3A_223 = tpu.vector_load_idx %arg17[%add3A_65, %add3A_222] : memref<256x128xf32, #tpu.memory_space<vmem>>[vector<16xi32>, vector<16xi32>], vector<16xf32>,
      %mul3A_224 = arith.mulf %gather3A_219, %gather3A_223 : vector<16xf32>
      %add3A_225 = arith.addf %add3A_215, %mul3A_224 : vector<16xf32>
      %add3A_226 = arith.constant 15 : i32
      %add3A_227 = vector.broadcast %add3A_226 : i32 to vector<16xi32>
      %add3A_228 = arith.addi %get3A_68, %add3A_227 : vector<16xi32>
      %gather3A_229 = tpu.vector_load_idx %arg16[%add3A_65, %add3A_228] : memref<256x128xf32, #tpu.memory_space<vmem>>[vector<16xi32>, vector<16xi32>], vector<16xf32>,
      %add3A_230 = arith.constant 15 : i32
      %add3A_231 = vector.broadcast %add3A_230 : i32 to vector<16xi32>
      %add3A_232 = arith.addi %get3A_72, %add3A_231 : vector<16xi32>
      %gather3A_233 = tpu.vector_load_idx %arg17[%add3A_65, %add3A_232] : memref<256x128xf32, #tpu.memory_space<vmem>>[vector<16xi32>, vector<16xi32>], vector<16xf32>,
      %mul3A_234 = arith.mulf %gather3A_229, %gather3A_233 : vector<16xf32>
      %add3A_235 = arith.addf %add3A_225, %mul3A_234 : vector<16xf32>
      %add3A_236 = arith.constant 0 : i32
      %add3A_237 = arith.addi %add3A_236, %add3A_63 : i32
      %swap3A = arith.index_cast %add3A_237 : i32 to index
      %swap3A_238 = tpu.vector_load %arg15[%swap3A] {strides = array<i32>} : memref<512xf32, #tpu.memory_space<vmem>>, vector<16xf32>,
      tpu.vector_store %arg15[%swap3A], %add3A_235 {strides = array<i32>} : memref<512xf32, #tpu.memory_space<vmem>>, vector<16xf32>,
    }
    %scan3A_33 = arith.constant 16 : i32
    %dma_start3A_34 = arith.constant 256 : i32
    %dma_start3A_35 = tpu.memref_slice %arg8[%dma_start3A_34] : memref<512xi32, #tpu.memory_space<vmem>> -> memref<256xi32, #tpu.memory_space<vmem>>
    %dma_start3A_36 = arith.constant 0 : i32
    %dma_start3A_37 = arith.constant 0 : i32
    %dma_start3A_38 = tpu.memref_slice %arg2[%dma_start3A_36, %dma_start3A_37] : memref<131072x128xf32, #tpu.memory_space<hbm>> -> memref<131072x128xf32, #tpu.memory_space<hbm>>
    tpu.enqueue_indirect_dma source(%dma_start3A_38 : memref<131072x128xf32, #tpu.memory_space<hbm>>) target(%arg16 : memref<256x128xf32, #tpu.memory_space<vmem>>) offsets(%dma_start3A_35 : memref<256xi32, #tpu.memory_space<vmem>>) semaphore(%arg18 : memref<!tpu.dma_semaphore, #tpu.memory_space<semaphore_mem>>)
    %dma_start3A_39 = arith.constant 256 : i32
    %dma_start3A_40 = tpu.memref_slice %arg9[%dma_start3A_39] : memref<512xi32, #tpu.memory_space<vmem>> -> memref<256xi32, #tpu.memory_space<vmem>>
    %dma_start3A_41 = arith.constant 0 : i32
    %dma_start3A_42 = arith.constant 0 : i32
    %dma_start3A_43 = tpu.memref_slice %arg3[%dma_start3A_41, %dma_start3A_42] : memref<131072x128xf32, #tpu.memory_space<hbm>> -> memref<131072x128xf32, #tpu.memory_space<hbm>>
    tpu.enqueue_indirect_dma source(%dma_start3A_43 : memref<131072x128xf32, #tpu.memory_space<hbm>>) target(%arg17 : memref<256x128xf32, #tpu.memory_space<vmem>>) offsets(%dma_start3A_40 : memref<256xi32, #tpu.memory_space<vmem>>) semaphore(%arg19 : memref<!tpu.dma_semaphore, #tpu.memory_space<semaphore_mem>>)
    %dma_wait3A_44 = arith.constant 256 : i32
    %dma_wait3A_45 = tpu.memref_slice %arg8[%dma_wait3A_44] : memref<512xi32, #tpu.memory_space<vmem>> -> memref<256xi32, #tpu.memory_space<vmem>>
    %dma_wait3A_46 = arith.constant 0 : i32
    %dma_wait3A_47 = arith.constant 0 : i32
    %dma_wait3A_48 = tpu.memref_slice %arg2[%dma_wait3A_46, %dma_wait3A_47] : memref<131072x128xf32, #tpu.memory_space<hbm>> -> memref<131072x128xf32, #tpu.memory_space<hbm>>
    tpu.wait_indirect_dma semaphore(%arg18 : memref<!tpu.dma_semaphore, #tpu.memory_space<semaphore_mem>>) src(%dma_wait3A_48 : memref<131072x128xf32, #tpu.memory_space<hbm>>) dst(%arg16 : memref<256x128xf32, #tpu.memory_space<vmem>>)
    %dma_wait3A_49 = arith.constant 256 : i32
    %dma_wait3A_50 = tpu.memref_slice %arg9[%dma_wait3A_49] : memref<512xi32, #tpu.memory_space<vmem>> -> memref<256xi32, #tpu.memory_space<vmem>>
    %dma_wait3A_51 = arith.constant 0 : i32
    %dma_wait3A_52 = arith.constant 0 : i32
    %dma_wait3A_53 = tpu.memref_slice %arg3[%dma_wait3A_51, %dma_wait3A_52] : memref<131072x128xf32, #tpu.memory_space<hbm>> -> memref<131072x128xf32, #tpu.memory_space<hbm>>
    tpu.wait_indirect_dma semaphore(%arg19 : memref<!tpu.dma_semaphore, #tpu.memory_space<semaphore_mem>>) src(%dma_wait3A_53 : memref<131072x128xf32, #tpu.memory_space<hbm>>) dst(%arg17 : memref<256x128xf32, #tpu.memory_space<vmem>>)
    %scan3A_54 = arith.constant 0 : i32
    %scan3A_55 = arith.constant 16 : i32
    %scan3A_56 = arith.addi %scan3A_54, %scan3A_55 : i32
    %scan3A_57 = arith.constant 1 : i32
    scf.for %scan3A_59 = %scan3A_54 to %scan3A_56 step %scan3A_57  : i32 {
      %mul3A_60 = arith.constant 16 : i32
      %mul3A_61 = arith.muli %scan3A_59, %mul3A_60 : i32
      %add3A_62 = arith.constant 0 : i32
      %add3A_63 = arith.addi %add3A_62, %mul3A_61 : i32
      %iota3A = tpu.iota {dimensions = array<i32: 0>} : vector<16xi32>
      %add3A_64 = vector.broadcast %add3A_63 : i32 to vector<16xi32>
      %add3A_65 = arith.addi %iota3A, %add3A_64 : vector<16xi32>
      %add3A_66 = arith.constant 256 : i32
      %add3A_67 = arith.addi %add3A_66, %add3A_63 : i32
      %get3A = arith.index_cast %add3A_67 : i32 to index
      %get3A_68 = tpu.vector_load %arg10[%get3A] {strides = array<i32>} : memref<512xi32, #tpu.memory_space<vmem>>, vector<16xi32>,
      %add3A_69 = arith.constant 256 : i32
      %add3A_70 = arith.addi %add3A_69, %add3A_63 : i32
      %get3A_71 = arith.index_cast %add3A_70 : i32 to index
      %get3A_72 = tpu.vector_load %arg11[%get3A_71] {strides = array<i32>} : memref<512xi32, #tpu.memory_space<vmem>>, vector<16xi32>,
      %add3A_73 = arith.constant 256 : i32
      %add3A_74 = arith.addi %add3A_73, %add3A_63 : i32
      %get3A_75 = arith.index_cast %add3A_74 : i32 to index
      %get3A_76 = tpu.vector_load %arg14[%get3A_75] {strides = array<i32>} : memref<512xf32, #tpu.memory_space<vmem>>, vector<16xf32>,
      %add3A_77 = arith.constant 0 : i32
      %add3A_78 = vector.broadcast %add3A_77 : i32 to vector<16xi32>
      %add3A_79 = arith.addi %get3A_68, %add3A_78 : vector<16xi32>
      %gather3A = tpu.vector_load_idx %arg16[%add3A_65, %add3A_79] : memref<256x128xf32, #tpu.memory_space<vmem>>[vector<16xi32>, vector<16xi32>], vector<16xf32>,
      %add3A_80 = arith.constant 0 : i32
      %add3A_81 = vector.broadcast %add3A_80 : i32 to vector<16xi32>
      %add3A_82 = arith.addi %get3A_72, %add3A_81 : vector<16xi32>
      %gather3A_83 = tpu.vector_load_idx %arg17[%add3A_65, %add3A_82] : memref<256x128xf32, #tpu.memory_space<vmem>>[vector<16xi32>, vector<16xi32>], vector<16xf32>,
      %mul3A_84 = arith.mulf %gather3A, %gather3A_83 : vector<16xf32>
      %add3A_85 = arith.addf %get3A_76, %mul3A_84 : vector<16xf32>
      %add3A_86 = arith.constant 1 : i32
      %add3A_87 = vector.broadcast %add3A_86 : i32 to vector<16xi32>
      %add3A_88 = arith.addi %get3A_68, %add3A_87 : vector<16xi32>
      %gather3A_89 = tpu.vector_load_idx %arg16[%add3A_65, %add3A_88] : memref<256x128xf32, #tpu.memory_space<vmem>>[vector<16xi32>, vector<16xi32>], vector<16xf32>,
      %add3A_90 = arith.constant 1 : i32
      %add3A_91 = vector.broadcast %add3A_90 : i32 to vector<16xi32>
      %add3A_92 = arith.addi %get3A_72, %add3A_91 : vector<16xi32>
      %gather3A_93 = tpu.vector_load_idx %arg17[%add3A_65, %add3A_92] : memref<256x128xf32, #tpu.memory_space<vmem>>[vector<16xi32>, vector<16xi32>], vector<16xf32>,
      %mul3A_94 = arith.mulf %gather3A_89, %gather3A_93 : vector<16xf32>
      %add3A_95 = arith.addf %add3A_85, %mul3A_94 : vector<16xf32>
      %add3A_96 = arith.constant 2 : i32
      %add3A_97 = vector.broadcast %add3A_96 : i32 to vector<16xi32>
      %add3A_98 = arith.addi %get3A_68, %add3A_97 : vector<16xi32>
      %gather3A_99 = tpu.vector_load_idx %arg16[%add3A_65, %add3A_98] : memref<256x128xf32, #tpu.memory_space<vmem>>[vector<16xi32>, vector<16xi32>], vector<16xf32>,
      %add3A_100 = arith.constant 2 : i32
      %add3A_101 = vector.broadcast %add3A_100 : i32 to vector<16xi32>
      %add3A_102 = arith.addi %get3A_72, %add3A_101 : vector<16xi32>
      %gather3A_103 = tpu.vector_load_idx %arg17[%add3A_65, %add3A_102] : memref<256x128xf32, #tpu.memory_space<vmem>>[vector<16xi32>, vector<16xi32>], vector<16xf32>,
      %mul3A_104 = arith.mulf %gather3A_99, %gather3A_103 : vector<16xf32>
      %add3A_105 = arith.addf %add3A_95, %mul3A_104 : vector<16xf32>
      %add3A_106 = arith.constant 3 : i32
      %add3A_107 = vector.broadcast %add3A_106 : i32 to vector<16xi32>
      %add3A_108 = arith.addi %get3A_68, %add3A_107 : vector<16xi32>
      %gather3A_109 = tpu.vector_load_idx %arg16[%add3A_65, %add3A_108] : memref<256x128xf32, #tpu.memory_space<vmem>>[vector<16xi32>, vector<16xi32>], vector<16xf32>,
      %add3A_110 = arith.constant 3 : i32
      %add3A_111 = vector.broadcast %add3A_110 : i32 to vector<16xi32>
      %add3A_112 = arith.addi %get3A_72, %add3A_111 : vector<16xi32>
      %gather3A_113 = tpu.vector_load_idx %arg17[%add3A_65, %add3A_112] : memref<256x128xf32, #tpu.memory_space<vmem>>[vector<16xi32>, vector<16xi32>], vector<16xf32>,
      %mul3A_114 = arith.mulf %gather3A_109, %gather3A_113 : vector<16xf32>
      %add3A_115 = arith.addf %add3A_105, %mul3A_114 : vector<16xf32>
      %add3A_116 = arith.constant 4 : i32
      %add3A_117 = vector.broadcast %add3A_116 : i32 to vector<16xi32>
      %add3A_118 = arith.addi %get3A_68, %add3A_117 : vector<16xi32>
      %gather3A_119 = tpu.vector_load_idx %arg16[%add3A_65, %add3A_118] : memref<256x128xf32, #tpu.memory_space<vmem>>[vector<16xi32>, vector<16xi32>], vector<16xf32>,
      %add3A_120 = arith.constant 4 : i32
      %add3A_121 = vector.broadcast %add3A_120 : i32 to vector<16xi32>
      %add3A_122 = arith.addi %get3A_72, %add3A_121 : vector<16xi32>
      %gather3A_123 = tpu.vector_load_idx %arg17[%add3A_65, %add3A_122] : memref<256x128xf32, #tpu.memory_space<vmem>>[vector<16xi32>, vector<16xi32>], vector<16xf32>,
      %mul3A_124 = arith.mulf %gather3A_119, %gather3A_123 : vector<16xf32>
      %add3A_125 = arith.addf %add3A_115, %mul3A_124 : vector<16xf32>
      %add3A_126 = arith.constant 5 : i32
      %add3A_127 = vector.broadcast %add3A_126 : i32 to vector<16xi32>
      %add3A_128 = arith.addi %get3A_68, %add3A_127 : vector<16xi32>
      %gather3A_129 = tpu.vector_load_idx %arg16[%add3A_65, %add3A_128] : memref<256x128xf32, #tpu.memory_space<vmem>>[vector<16xi32>, vector<16xi32>], vector<16xf32>,
      %add3A_130 = arith.constant 5 : i32
      %add3A_131 = vector.broadcast %add3A_130 : i32 to vector<16xi32>
      %add3A_132 = arith.addi %get3A_72, %add3A_131 : vector<16xi32>
      %gather3A_133 = tpu.vector_load_idx %arg17[%add3A_65, %add3A_132] : memref<256x128xf32, #tpu.memory_space<vmem>>[vector<16xi32>, vector<16xi32>], vector<16xf32>,
      %mul3A_134 = arith.mulf %gather3A_129, %gather3A_133 : vector<16xf32>
      %add3A_135 = arith.addf %add3A_125, %mul3A_134 : vector<16xf32>
      %add3A_136 = arith.constant 6 : i32
      %add3A_137 = vector.broadcast %add3A_136 : i32 to vector<16xi32>
      %add3A_138 = arith.addi %get3A_68, %add3A_137 : vector<16xi32>
      %gather3A_139 = tpu.vector_load_idx %arg16[%add3A_65, %add3A_138] : memref<256x128xf32, #tpu.memory_space<vmem>>[vector<16xi32>, vector<16xi32>], vector<16xf32>,
      %add3A_140 = arith.constant 6 : i32
      %add3A_141 = vector.broadcast %add3A_140 : i32 to vector<16xi32>
      %add3A_142 = arith.addi %get3A_72, %add3A_141 : vector<16xi32>
      %gather3A_143 = tpu.vector_load_idx %arg17[%add3A_65, %add3A_142] : memref<256x128xf32, #tpu.memory_space<vmem>>[vector<16xi32>, vector<16xi32>], vector<16xf32>,
      %mul3A_144 = arith.mulf %gather3A_139, %gather3A_143 : vector<16xf32>
      %add3A_145 = arith.addf %add3A_135, %mul3A_144 : vector<16xf32>
      %add3A_146 = arith.constant 7 : i32
      %add3A_147 = vector.broadcast %add3A_146 : i32 to vector<16xi32>
      %add3A_148 = arith.addi %get3A_68, %add3A_147 : vector<16xi32>
      %gather3A_149 = tpu.vector_load_idx %arg16[%add3A_65, %add3A_148] : memref<256x128xf32, #tpu.memory_space<vmem>>[vector<16xi32>, vector<16xi32>], vector<16xf32>,
      %add3A_150 = arith.constant 7 : i32
      %add3A_151 = vector.broadcast %add3A_150 : i32 to vector<16xi32>
      %add3A_152 = arith.addi %get3A_72, %add3A_151 : vector<16xi32>
      %gather3A_153 = tpu.vector_load_idx %arg17[%add3A_65, %add3A_152] : memref<256x128xf32, #tpu.memory_space<vmem>>[vector<16xi32>, vector<16xi32>], vector<16xf32>,
      %mul3A_154 = arith.mulf %gather3A_149, %gather3A_153 : vector<16xf32>
      %add3A_155 = arith.addf %add3A_145, %mul3A_154 : vector<16xf32>
      %add3A_156 = arith.constant 8 : i32
      %add3A_157 = vector.broadcast %add3A_156 : i32 to vector<16xi32>
      %add3A_158 = arith.addi %get3A_68, %add3A_157 : vector<16xi32>
      %gather3A_159 = tpu.vector_load_idx %arg16[%add3A_65, %add3A_158] : memref<256x128xf32, #tpu.memory_space<vmem>>[vector<16xi32>, vector<16xi32>], vector<16xf32>,
      %add3A_160 = arith.constant 8 : i32
      %add3A_161 = vector.broadcast %add3A_160 : i32 to vector<16xi32>
      %add3A_162 = arith.addi %get3A_72, %add3A_161 : vector<16xi32>
      %gather3A_163 = tpu.vector_load_idx %arg17[%add3A_65, %add3A_162] : memref<256x128xf32, #tpu.memory_space<vmem>>[vector<16xi32>, vector<16xi32>], vector<16xf32>,
      %mul3A_164 = arith.mulf %gather3A_159, %gather3A_163 : vector<16xf32>
      %add3A_165 = arith.addf %add3A_155, %mul3A_164 : vector<16xf32>
      %add3A_166 = arith.constant 9 : i32
      %add3A_167 = vector.broadcast %add3A_166 : i32 to vector<16xi32>
      %add3A_168 = arith.addi %get3A_68, %add3A_167 : vector<16xi32>
      %gather3A_169 = tpu.vector_load_idx %arg16[%add3A_65, %add3A_168] : memref<256x128xf32, #tpu.memory_space<vmem>>[vector<16xi32>, vector<16xi32>], vector<16xf32>,
      %add3A_170 = arith.constant 9 : i32
      %add3A_171 = vector.broadcast %add3A_170 : i32 to vector<16xi32>
      %add3A_172 = arith.addi %get3A_72, %add3A_171 : vector<16xi32>
      %gather3A_173 = tpu.vector_load_idx %arg17[%add3A_65, %add3A_172] : memref<256x128xf32, #tpu.memory_space<vmem>>[vector<16xi32>, vector<16xi32>], vector<16xf32>,
      %mul3A_174 = arith.mulf %gather3A_169, %gather3A_173 : vector<16xf32>
      %add3A_175 = arith.addf %add3A_165, %mul3A_174 : vector<16xf32>
      %add3A_176 = arith.constant 10 : i32
      %add3A_177 = vector.broadcast %add3A_176 : i32 to vector<16xi32>
      %add3A_178 = arith.addi %get3A_68, %add3A_177 : vector<16xi32>
      %gather3A_179 = tpu.vector_load_idx %arg16[%add3A_65, %add3A_178] : memref<256x128xf32, #tpu.memory_space<vmem>>[vector<16xi32>, vector<16xi32>], vector<16xf32>,
      %add3A_180 = arith.constant 10 : i32
      %add3A_181 = vector.broadcast %add3A_180 : i32 to vector<16xi32>
      %add3A_182 = arith.addi %get3A_72, %add3A_181 : vector<16xi32>
      %gather3A_183 = tpu.vector_load_idx %arg17[%add3A_65, %add3A_182] : memref<256x128xf32, #tpu.memory_space<vmem>>[vector<16xi32>, vector<16xi32>], vector<16xf32>,
      %mul3A_184 = arith.mulf %gather3A_179, %gather3A_183 : vector<16xf32>
      %add3A_185 = arith.addf %add3A_175, %mul3A_184 : vector<16xf32>
      %add3A_186 = arith.constant 11 : i32
      %add3A_187 = vector.broadcast %add3A_186 : i32 to vector<16xi32>
      %add3A_188 = arith.addi %get3A_68, %add3A_187 : vector<16xi32>
      %gather3A_189 = tpu.vector_load_idx %arg16[%add3A_65, %add3A_188] : memref<256x128xf32, #tpu.memory_space<vmem>>[vector<16xi32>, vector<16xi32>], vector<16xf32>,
      %add3A_190 = arith.constant 11 : i32
      %add3A_191 = vector.broadcast %add3A_190 : i32 to vector<16xi32>
      %add3A_192 = arith.addi %get3A_72, %add3A_191 : vector<16xi32>
      %gather3A_193 = tpu.vector_load_idx %arg17[%add3A_65, %add3A_192] : memref<256x128xf32, #tpu.memory_space<vmem>>[vector<16xi32>, vector<16xi32>], vector<16xf32>,
      %mul3A_194 = arith.mulf %gather3A_189, %gather3A_193 : vector<16xf32>
      %add3A_195 = arith.addf %add3A_185, %mul3A_194 : vector<16xf32>
      %add3A_196 = arith.constant 12 : i32
      %add3A_197 = vector.broadcast %add3A_196 : i32 to vector<16xi32>
      %add3A_198 = arith.addi %get3A_68, %add3A_197 : vector<16xi32>
      %gather3A_199 = tpu.vector_load_idx %arg16[%add3A_65, %add3A_198] : memref<256x128xf32, #tpu.memory_space<vmem>>[vector<16xi32>, vector<16xi32>], vector<16xf32>,
      %add3A_200 = arith.constant 12 : i32
      %add3A_201 = vector.broadcast %add3A_200 : i32 to vector<16xi32>
      %add3A_202 = arith.addi %get3A_72, %add3A_201 : vector<16xi32>
      %gather3A_203 = tpu.vector_load_idx %arg17[%add3A_65, %add3A_202] : memref<256x128xf32, #tpu.memory_space<vmem>>[vector<16xi32>, vector<16xi32>], vector<16xf32>,
      %mul3A_204 = arith.mulf %gather3A_199, %gather3A_203 : vector<16xf32>
      %add3A_205 = arith.addf %add3A_195, %mul3A_204 : vector<16xf32>
      %add3A_206 = arith.constant 13 : i32
      %add3A_207 = vector.broadcast %add3A_206 : i32 to vector<16xi32>
      %add3A_208 = arith.addi %get3A_68, %add3A_207 : vector<16xi32>
      %gather3A_209 = tpu.vector_load_idx %arg16[%add3A_65, %add3A_208] : memref<256x128xf32, #tpu.memory_space<vmem>>[vector<16xi32>, vector<16xi32>], vector<16xf32>,
      %add3A_210 = arith.constant 13 : i32
      %add3A_211 = vector.broadcast %add3A_210 : i32 to vector<16xi32>
      %add3A_212 = arith.addi %get3A_72, %add3A_211 : vector<16xi32>
      %gather3A_213 = tpu.vector_load_idx %arg17[%add3A_65, %add3A_212] : memref<256x128xf32, #tpu.memory_space<vmem>>[vector<16xi32>, vector<16xi32>], vector<16xf32>,
      %mul3A_214 = arith.mulf %gather3A_209, %gather3A_213 : vector<16xf32>
      %add3A_215 = arith.addf %add3A_205, %mul3A_214 : vector<16xf32>
      %add3A_216 = arith.constant 14 : i32
      %add3A_217 = vector.broadcast %add3A_216 : i32 to vector<16xi32>
      %add3A_218 = arith.addi %get3A_68, %add3A_217 : vector<16xi32>
      %gather3A_219 = tpu.vector_load_idx %arg16[%add3A_65, %add3A_218] : memref<256x128xf32, #tpu.memory_space<vmem>>[vector<16xi32>, vector<16xi32>], vector<16xf32>,
      %add3A_220 = arith.constant 14 : i32
      %add3A_221 = vector.broadcast %add3A_220 : i32 to vector<16xi32>
      %add3A_222 = arith.addi %get3A_72, %add3A_221 : vector<16xi32>
      %gather3A_223 = tpu.vector_load_idx %arg17[%add3A_65, %add3A_222] : memref<256x128xf32, #tpu.memory_space<vmem>>[vector<16xi32>, vector<16xi32>], vector<16xf32>,
      %mul3A_224 = arith.mulf %gather3A_219, %gather3A_223 : vector<16xf32>
      %add3A_225 = arith.addf %add3A_215, %mul3A_224 : vector<16xf32>
      %add3A_226 = arith.constant 15 : i32
      %add3A_227 = vector.broadcast %add3A_226 : i32 to vector<16xi32>
      %add3A_228 = arith.addi %get3A_68, %add3A_227 : vector<16xi32>
      %gather3A_229 = tpu.vector_load_idx %arg16[%add3A_65, %add3A_228] : memref<256x128xf32, #tpu.memory_space<vmem>>[vector<16xi32>, vector<16xi32>], vector<16xf32>,
      %add3A_230 = arith.constant 15 : i32
      %add3A_231 = vector.broadcast %add3A_230 : i32 to vector<16xi32>
      %add3A_232 = arith.addi %get3A_72, %add3A_231 : vector<16xi32>
      %gather3A_233 = tpu.vector_load_idx %arg17[%add3A_65, %add3A_232] : memref<256x128xf32, #tpu.memory_space<vmem>>[vector<16xi32>, vector<16xi32>], vector<16xf32>,
      %mul3A_234 = arith.mulf %gather3A_229, %gather3A_233 : vector<16xf32>
      %add3A_235 = arith.addf %add3A_225, %mul3A_234 : vector<16xf32>
      %add3A_236 = arith.constant 256 : i32
      %add3A_237 = arith.addi %add3A_236, %add3A_63 : i32
      %swap3A = arith.index_cast %add3A_237 : i32 to index
      %swap3A_238 = tpu.vector_load %arg15[%swap3A] {strides = array<i32>} : memref<512xf32, #tpu.memory_space<vmem>>, vector<16xf32>,
      tpu.vector_store %arg15[%swap3A], %add3A_235 {strides = array<i32>} : memref<512xf32, #tpu.memory_space<vmem>>, vector<16xf32>,
    }
    %scan3A_58 = arith.constant 16 : i32
    "tpu.region"() ({
      %run_scoped3A = tpu.sem_alloc : memref<!tpu.dma_semaphore, #tpu.memory_space<semaphore_mem>>
      %dma_start3A_59 = tpu.memref_slice %arg7[%mul3A_2] : memref<16384xf32, #tpu.memory_space<hbm>> -> memref<512xf32, #tpu.memory_space<hbm>>
      %dma_start3A_60 = tpu.memref_slice %arg7[%mul3A_2] : memref<16384xf32, #tpu.memory_space<hbm>> -> memref<512xf32, #tpu.memory_space<hbm>>
      tpu.enqueue_dma source(%arg15 : memref<512xf32, #tpu.memory_space<vmem>>) target(%dma_start3A_60 : memref<512xf32, #tpu.memory_space<hbm>>) target_semaphore(%run_scoped3A : memref<!tpu.dma_semaphore, #tpu.memory_space<semaphore_mem>>)
      %dma_wait3A_61 = tpu.memref_slice %arg7[%mul3A_2] : memref<16384xf32, #tpu.memory_space<hbm>> -> memref<512xf32, #tpu.memory_space<hbm>>
      %dma_wait3A_62 = tpu.memref_slice %arg7[%mul3A_2] : memref<16384xf32, #tpu.memory_space<hbm>> -> memref<512xf32, #tpu.memory_space<hbm>>
      tpu.wait_dma2 semaphore(%run_scoped3A : memref<!tpu.dma_semaphore, #tpu.memory_space<semaphore_mem>>) src(%arg15 : memref<512xf32, #tpu.memory_space<vmem>>) dst(%dma_wait3A_62 : memref<512xf32, #tpu.memory_space<hbm>>)
      tpu.yield
    }) : () -> ()
    return
  }
}

module attributes {stable_mosaic.version = 14 : i64} {
  func.func @_tc_bce_kernel(%arg0: memref<128x128xf32, #tpu.memory_space<vmem>>, %arg1: memref<128x128xf32, #tpu.memory_space<vmem>>, %arg2: memref<1x1xf32, #tpu.memory_space<vmem>>) attributes {dimension_semantics = [], scalar_prefetch = 0 : i64, scratch_operands = 0 : i64, tpu.core_type = #tpu.core_type<tc>} {
    %get3A = arith.constant 0 : index
    %get3A_0 = arith.constant 0 : index
    %get3A_1 = vector.load %arg0[%get3A, %get3A_0] : memref<128x128xf32, #tpu.memory_space<vmem>>, vector<128x128xf32>
    %get3A_2 = arith.constant 0 : index
    %get3A_3 = arith.constant 0 : index
    %get3A_4 = vector.load %arg1[%get3A_2, %get3A_3] : memref<128x128xf32, #tpu.memory_space<vmem>>, vector<128x128xf32>
    %max3A = arith.constant 0.000000e+00 : f32
    %max3A_5 = vector.broadcast %max3A : f32 to vector<128x128xf32>
    %max3A_6 = arith.maximumf %get3A_1, %max3A_5 : vector<128x128xf32>
    %mul3A = arith.mulf %get3A_1, %get3A_4 : vector<128x128xf32>
    %sub3A = arith.subf %max3A_6, %mul3A : vector<128x128xf32>
    %abs3A = math.absf %get3A_1 : vector<128x128xf32>
    %neg3A = arith.constant 0.000000e+00 : f32
    %neg3A_7 = vector.broadcast %neg3A : f32 to vector<128x128xf32>
    %neg3A_8 = arith.subf %neg3A_7, %abs3A : vector<128x128xf32>
    %exp3A = math.exp %neg3A_8 : vector<128x128xf32>
    %log1p3A = math.log1p %exp3A : vector<128x128xf32>
    %add3A = arith.addf %sub3A, %log1p3A : vector<128x128xf32>
    %reduce_sum3A = vector.shape_cast %add3A : vector<128x128xf32> to vector<1x128x128xf32>
    %reduce_sum3A_9 = arith.constant dense<0.000000e+00> : vector<1xf32>
    %reduce_sum3A_10 = vector.multi_reduction <add>, %reduce_sum3A, %reduce_sum3A_9 [1, 2] : vector<1x128x128xf32> to vector<1xf32>
    %reduce_sum3A_11 = vector.shape_cast %reduce_sum3A_10 : vector<1xf32> to vector<1x1x1xf32>
    %reduce_sum3A_12 = vector.extract %reduce_sum3A_11[0, 0, 0] : f32 from vector<1x1x1xf32>
    %mul3A_13 = arith.constant 6.10351563E-5 : f32
    %mul3A_14 = arith.mulf %reduce_sum3A_12, %mul3A_13 : f32
    %reshape3A = vector.broadcast %mul3A_14 : f32 to vector<1x1xf32>
    %swap3A = arith.constant 0 : index
    %swap3A_15 = arith.constant 0 : index
    %swap3A_16 = vector.load %arg2[%swap3A, %swap3A_15] : memref<1x1xf32, #tpu.memory_space<vmem>>, vector<1x1xf32>
    tpu.vector_store %arg2[%swap3A, %swap3A_15], %reshape3A {strides = array<i32>} : memref<1x1xf32, #tpu.memory_space<vmem>>, vector<1x1xf32>,
    return
  }
}

module attributes {stable_mosaic.version = 14 : i64} {
  func.func @_tc_relayout_kernel(%arg0: i32, %arg1: memref<16x65536xf32, #tpu.memory_space<vmem>>, %arg2: memref<16x65536xf32, #tpu.memory_space<vmem>>, %arg3: memref<8192x128xf32, #tpu.memory_space<vmem>>, %arg4: memref<8192x128xf32, #tpu.memory_space<vmem>>) attributes {dimension_semantics = [#tpu.dimension_semantics<arbitrary>], iteration_bounds = array<i64: 16>, scalar_prefetch = 0 : i64, scratch_operands = 0 : i64, tpu.core_type = #tpu.core_type<tc>, window_params = [{transform_indices = @transform_0, window_bounds = array<i64: 16, 65536>}, {transform_indices = @transform_1, window_bounds = array<i64: 16, 65536>}, {transform_indices = @transform_2, window_bounds = array<i64: 8192, 128>}, {transform_indices = @transform_3, window_bounds = array<i64: 8192, 128>}]} {
    %get3A = arith.constant 0 : index
    %get3A_0 = arith.constant 0 : index
    %get3A_1 = vector.load %arg1[%get3A, %get3A_0] : memref<16x65536xf32, #tpu.memory_space<vmem>>, vector<16x65536xf32>
    %slice3A = vector.extract_strided_slice %get3A_1 {offsets = [0, 0], sizes = [16, 8192], strides = [1, 1]} : vector<16x65536xf32> to vector<16x8192xf32>
    %slice3A_2 = vector.extract_strided_slice %get3A_1 {offsets = [0, 8192], sizes = [16, 8192], strides = [1, 1]} : vector<16x65536xf32> to vector<16x8192xf32>
    %slice3A_3 = vector.extract_strided_slice %get3A_1 {offsets = [0, 16384], sizes = [16, 8192], strides = [1, 1]} : vector<16x65536xf32> to vector<16x8192xf32>
    %slice3A_4 = vector.extract_strided_slice %get3A_1 {offsets = [0, 24576], sizes = [16, 8192], strides = [1, 1]} : vector<16x65536xf32> to vector<16x8192xf32>
    %slice3A_5 = vector.extract_strided_slice %get3A_1 {offsets = [0, 32768], sizes = [16, 8192], strides = [1, 1]} : vector<16x65536xf32> to vector<16x8192xf32>
    %slice3A_6 = vector.extract_strided_slice %get3A_1 {offsets = [0, 40960], sizes = [16, 8192], strides = [1, 1]} : vector<16x65536xf32> to vector<16x8192xf32>
    %slice3A_7 = vector.extract_strided_slice %get3A_1 {offsets = [0, 49152], sizes = [16, 8192], strides = [1, 1]} : vector<16x65536xf32> to vector<16x8192xf32>
    %slice3A_8 = vector.extract_strided_slice %get3A_1 {offsets = [0, 57344], sizes = [16, 8192], strides = [1, 1]} : vector<16x65536xf32> to vector<16x8192xf32>
    %concatenate3A = tpu.concatenate %slice3A, %slice3A_2, %slice3A_3, %slice3A_4, %slice3A_5, %slice3A_6, %slice3A_7, %slice3A_8 in 0 : vector<16x8192xf32>, vector<16x8192xf32>, vector<16x8192xf32>, vector<16x8192xf32>, vector<16x8192xf32>, vector<16x8192xf32>, vector<16x8192xf32>, vector<16x8192xf32> -> vector<128x8192xf32>
    %transpose3A = tpu.transpose %concatenate3A, [1, 0] : vector<128x8192xf32> -> vector<8192x128xf32>
    %swap3A = arith.constant 0 : index
    %swap3A_9 = arith.constant 0 : index
    %swap3A_10 = vector.load %arg3[%swap3A, %swap3A_9] : memref<8192x128xf32, #tpu.memory_space<vmem>>, vector<8192x128xf32>
    tpu.vector_store %arg3[%swap3A, %swap3A_9], %transpose3A {strides = array<i32>} : memref<8192x128xf32, #tpu.memory_space<vmem>>, vector<8192x128xf32>,
    %get3A_11 = arith.constant 0 : index
    %get3A_12 = arith.constant 0 : index
    %get3A_13 = vector.load %arg2[%get3A_11, %get3A_12] : memref<16x65536xf32, #tpu.memory_space<vmem>>, vector<16x65536xf32>
    %slice3A_14 = vector.extract_strided_slice %get3A_13 {offsets = [0, 0], sizes = [16, 8192], strides = [1, 1]} : vector<16x65536xf32> to vector<16x8192xf32>
    %slice3A_15 = vector.extract_strided_slice %get3A_13 {offsets = [0, 8192], sizes = [16, 8192], strides = [1, 1]} : vector<16x65536xf32> to vector<16x8192xf32>
    %slice3A_16 = vector.extract_strided_slice %get3A_13 {offsets = [0, 16384], sizes = [16, 8192], strides = [1, 1]} : vector<16x65536xf32> to vector<16x8192xf32>
    %slice3A_17 = vector.extract_strided_slice %get3A_13 {offsets = [0, 24576], sizes = [16, 8192], strides = [1, 1]} : vector<16x65536xf32> to vector<16x8192xf32>
    %slice3A_18 = vector.extract_strided_slice %get3A_13 {offsets = [0, 32768], sizes = [16, 8192], strides = [1, 1]} : vector<16x65536xf32> to vector<16x8192xf32>
    %slice3A_19 = vector.extract_strided_slice %get3A_13 {offsets = [0, 40960], sizes = [16, 8192], strides = [1, 1]} : vector<16x65536xf32> to vector<16x8192xf32>
    %slice3A_20 = vector.extract_strided_slice %get3A_13 {offsets = [0, 49152], sizes = [16, 8192], strides = [1, 1]} : vector<16x65536xf32> to vector<16x8192xf32>
    %slice3A_21 = vector.extract_strided_slice %get3A_13 {offsets = [0, 57344], sizes = [16, 8192], strides = [1, 1]} : vector<16x65536xf32> to vector<16x8192xf32>
    %concatenate3A_22 = tpu.concatenate %slice3A_14, %slice3A_15, %slice3A_16, %slice3A_17, %slice3A_18, %slice3A_19, %slice3A_20, %slice3A_21 in 0 : vector<16x8192xf32>, vector<16x8192xf32>, vector<16x8192xf32>, vector<16x8192xf32>, vector<16x8192xf32>, vector<16x8192xf32>, vector<16x8192xf32>, vector<16x8192xf32> -> vector<128x8192xf32>
    %transpose3A_23 = tpu.transpose %concatenate3A_22, [1, 0] : vector<128x8192xf32> -> vector<8192x128xf32>
    %swap3A_24 = arith.constant 0 : index
    %swap3A_25 = arith.constant 0 : index
    %swap3A_26 = vector.load %arg4[%swap3A_24, %swap3A_25] : memref<8192x128xf32, #tpu.memory_space<vmem>>, vector<8192x128xf32>
    tpu.vector_store %arg4[%swap3A_24, %swap3A_25], %transpose3A_23 {strides = array<i32>} : memref<8192x128xf32, #tpu.memory_space<vmem>>, vector<8192x128xf32>,
    return
  }
  func.func @transform_0(%arg0: i32) -> (i32, i32) {
    %c0_i32 = arith.constant 0 : i32
    %c0_i32_0 = arith.constant 0 : i32
    return %c0_i32, %arg0 : i32, i32
  }
  func.func @transform_1(%arg0: i32) -> (i32, i32) {
    %c0_i32 = arith.constant 0 : i32
    %c0_i32_0 = arith.constant 0 : i32
    return %c0_i32, %arg0 : i32, i32
  }
  func.func @transform_2(%arg0: i32) -> (i32, i32) {
    %c0_i32 = arith.constant 0 : i32
    %c0_i32_0 = arith.constant 0 : i32
    return %arg0, %c0_i32 : i32, i32
  }
  func.func @transform_3(%arg0: i32) -> (i32, i32) {
    %c0_i32 = arith.constant 0 : i32
    %c0_i32_0 = arith.constant 0 : i32
    return %arg0, %c0_i32 : i32, i32
  }
}

</mosaic_0001>

<sc_bundles>
// kernel: kernel.5.cloned.1.call-start
scs
__scs_entry_jumppad:
0x0: {  	(pc) =	sbr.rel $0x88, $3  }
0x1: {  	(tag) =	ssettag $0x0;
	lr =	simm.s32 $0x1  }
0x2: {  	[smem:$0x3F9B] =	sst lr;
	_ =	strace $0xD0000000  }
0x3: {  	_ = 	snop  }
0x4: {  	_ = 	snop  }
0x5: {  	_ = 	snop  }
0x6: {  	_ = 	snop  }
0x7: {  	_ = 	snop  }
__scs_overlays_trampoline_lowered:
0x8: {  	[smem:$0x3FAA] =	sst s0  }
0x9: {  	[smem:$0x3FAB] =	sst s1  }
0xa: {  	[smem:$0x3FAC] =	sst s2  }
0xb: {  	[smem:$0x3FAD] =	sst s3  }
0xc: {  	[smem:$0x3FAE] =	sst s4  }
0xd: {  	[smem:$0x3FAF] =	sst s5  }
0xe: {  	[smem:$0x3FB0] =	sst s6  }
0xf: {  	[smem:$0x3FB1] =	sst s7  }
0x10: {  	[smem:$0x3FB2] =	sst s8  }
0x11: {  	[smem:$0x3FB3] =	sst s9;
	s0 =	simm.s32 @!p0 $0x0  }
0x12: {  	s1 =	sld [smem:$0x3F99];
	s0 =	simm.s32 @p0 $0x1  }
0x13: {  	[smem:$0x3FB4] =	sst s0;
	s0 =	simm.s32 @!p1 $0x0  }
0x14: {  	s2 =	sld [smem:$0x3F98];
	s0 =	simm.s32 @p1 $0x1  }
0x15: {  	[smem:$0x3FB5] =	sst s0;
	s0 =	simm.s32 @!p2 $0x0  }
0x16: {  	s3 =	sld [smem:$0x3FDB];
	s0 =	simm.s32 @p2 $0x1  }
0x17: {  	s4 =	simm.s32 $0x1BF5;
	[smem:$0x3FB7] =	sst s0  }
0x18: {  	s0 =	sld [smem:$0x3F9A];
	_ =	swait.ge [sflag:s4], $0x0  }
0x19: {  	s7 =	sld [smem:$0x3F9B]  }
0x1a: {  	s8 =	sadd.s32 $0xFFFFE003, lr  }
0x1b: {  	s9 =	sadd.s32 $0xFFFFFEF7, lr;
	s5 =	simm.s32 $0xFFFFFFFF;
	p2 =	slt.u32 s8, $0xFFFFF086  }
0x1c: {  	p1 =	slt.u32 s9, $0xF7A;
	s5 =	simm.s32 @!p2 $0x0  }
0x1d: {  	s5 =	simm.s32 @p1 $0x1;
	p0 =	seq.s32 s7, s2  }
0x1e: {  	s7 =	smul.u32 @!p0 $0xF7A, s2;
	p2 =	seq.s32 @!p0 s5, $0x0  }
0x1f: {  	s9 =	smul.u32 $0xF7A, s1;
	s8 =	simm.s32 @!p0 $0x1BF5;
	p2 =	por !p2, p0  }
0x20: {  	[sflag:s8] =	ssyncset.s32 @!p0 $0xFFFFF086;
	s6 =	sadd.s32 @!p0 s3, s7;
	s7 =	simm.s32 @!p0 $0x108  }
0x21: {  	s3 =	sadd.s32 s3, s9;
	s6 =	sadd.s32 @!p0 $0x88, s6;
	s7 =	simm.s32 @p2 $0x1082  }
0x22: {  	[simem:s7], [sflag:s8] =	dma.local @!p0 [hbm:s6], $0xF7A  }
0x23: {  	s9 =	sor.u32 $0xD0000000, s2;
	s6 =	simm.s32 $0x108;
	_ =	swait.ge @!p0 [sflag:s8], $0x0  }
0x24: {  	s3 =	sadd.s32 $0x88, s3;
	s6 =	simm.s32 @!p1 $0x1082;
	[sflag:s4] =	ssyncset.s32 $0xFFFFF086  }
0x25: {  	[simem:s6], [sflag:s4] =	dma.local [hbm:s3], $0xF7A  }
0x26: {  	[smem:$0x3F9B] =	sst s1;
	(tag) =	ssettag s2;
	_ =	strace s9  }
0x27: {  	s1 =	sld [smem:$0x3FAB]  }
0x28: {  	s2 =	sld [smem:$0x3FAC]  }
0x29: {  	s4 =	sld [smem:$0x3FAE]  }
0x2a: {  	p0 =	seq.s32 s5, $0x0;
	s5 =	sld [smem:$0x3FAF]  }
0x2b: {  	s6 =	sld [smem:$0x3FB0]  }
0x2c: {  	s7 =	sld [smem:$0x3FB1]  }
0x2d: {  	s3 =	simm.s32 $0x108;
	s8 =	sld [smem:$0x3FB2]  }
0x2e: {  	s3 =	simm.s32 @!p0 $0x1082;
	s9 =	sld [smem:$0x3FB3]  }
0x2f: {  	lr =	sadd.s32 s0, s3;
	s0 =	sld [smem:$0x3FAA]  }
0x30: {  	s3 =	sld [smem:$0x3FAD]  }
0x31: {  	[smem:$0x3FB6] =	sst s10  }
0x32: {  	s10 =	sld [smem:$0x3FB4];
	_ =	sdelay $0x3  }
0x33: {  	p0 =	seq.s32 s10, $0x1;
	s10 =	sld [smem:$0x3FB6];
	_ =	sdelay $0x3  }
0x34: {  	[smem:$0x3FB6] =	sst s10  }
0x35: {  	s10 =	sld [smem:$0x3FB5];
	_ =	sdelay $0x3  }
0x36: {  	p1 =	seq.s32 s10, $0x1;
	s10 =	sld [smem:$0x3FB6];
	_ =	sdelay $0x3  }
0x37: {  	[smem:$0x3FB6] =	sst s10  }
0x38: {  	s10 =	sld [smem:$0x3FB7]  }
0x39: {  	_ = 	snop;
	(pc) =	sbr.ind lr, $3  }
0x3a: {  	_ = 	snop  }
0x3b: {  	_ = 	snop  }
0x3c: {  	p2 =	seq.s32 s10, $0x1;
	s10 =	sld [smem:$0x3FB6]  }
0x3d: {  	_ =	shalt  }
0x3e: {  	_ =	shalt  }
0x3f: {  	_ =	shalt  }
0x40: {  	_ =	shalt  }
0x41: {  	_ =	shalt  }
0x42: {  	_ =	shalt  }
0x43: {  	_ =	shalt  }
0x44: {  	_ =	shalt  }
0x45: {  	_ =	shalt  }
0x46: {  	_ =	shalt  }
0x47: {  	_ =	shalt  }
0x48: {  	_ =	shalt  }
0x49: {  	_ =	shalt  }
0x4a: {  	_ =	shalt  }
0x4b: {  	_ =	shalt  }
0x4c: {  	_ =	shalt  }
0x4d: {  	_ =	shalt  }
0x4e: {  	_ =	shalt  }
0x4f: {  	_ =	shalt  }
0x50: {  	_ =	shalt  }
0x51: {  	_ =	shalt  }
0x52: {  	_ =	shalt  }
0x53: {  	_ =	shalt  }
0x54: {  	_ =	shalt  }
0x55: {  	_ =	shalt  }
0x56: {  	_ =	shalt  }
0x57: {  	_ =	shalt  }
0x58: {  	_ =	shalt  }
0x59: {  	_ =	shalt  }
0x5a: {  	_ =	shalt  }
0x5b: {  	_ =	shalt  }
0x5c: {  	_ =	shalt  }
0x5d: {  	_ =	shalt  }
0x5e: {  	_ =	shalt  }
0x5f: {  	_ =	shalt  }
0x60: {  	_ =	shalt  }
0x61: {  	_ =	shalt  }
0x62: {  	_ =	shalt  }
0x63: {  	_ =	shalt  }
0x64: {  	_ =	shalt  }
0x65: {  	_ =	shalt  }
0x66: {  	_ =	shalt  }
0x67: {  	_ =	shalt  }
0x68: {  	_ =	shalt  }
0x69: {  	_ =	shalt  }
0x6a: {  	_ =	shalt  }
0x6b: {  	_ =	shalt  }
0x6c: {  	_ =	shalt  }
0x6d: {  	_ =	shalt  }
0x6e: {  	_ =	shalt  }
0x6f: {  	_ =	shalt  }
0x70: {  	_ =	shalt  }
0x71: {  	_ =	shalt  }
0x72: {  	_ =	shalt  }
0x73: {  	_ =	shalt  }
0x74: {  	_ =	shalt  }
0x75: {  	_ =	shalt  }
0x76: {  	_ =	shalt  }
0x77: {  	_ =	shalt  }
0x78: {  	_ =	shalt  }
0x79: {  	_ =	shalt  }
0x7a: {  	_ =	shalt  }
0x7b: {  	_ =	shalt  }
0x7c: {  	_ =	shalt  }
0x7d: {  	_ =	shalt  }
0x7e: {  	_ =	shalt  }
0x7f: {  	_ =	shalt  }
0x80: {  	_ =	shalt  }
0x81: {  	_ =	shalt  }
0x82: {  	_ =	shalt  }
0x83: {  	_ =	shalt  }
0x84: {  	_ =	shalt  }
0x85: {  	_ =	shalt  }
0x86: {  	_ =	shalt  }
0x87: {  	_ =	shalt  }
.Lfunc_end0:
.L_simem_size_0:
called_computation_lowered:
.L_overlay_start_0:
0x88: {  	s2 =	sld [smem:$0x3FD9]  }
0x89: {  	s3 =	sld [smem:$0x3FFE];
	_ =	sdelay $0x1  }
0x8a: {  	s1 =	srdreg.scid  }
0x8b: {  	s0 =	sand.u32 $0x1, s1  }
0x8c: {  	s17 =	sshll.u32 s0, $0xA;
	s2 =	sadd.s32 s3, s2  }
0x8d: {  	s2 =	sadd.s32 s2, s17  }
0x8e: {  	[smem:$0x3FC2] =	sst s2  }
0x8f: {  	_ = 	snop  }
0x90: {  	s2 =	sld [smem:$0x3FC9]  }
0x91: {  	s18 =	sld [smem:$0x3FC8]  }
0x92: {  	s4 =	sld [smem:$0x3FC4];
	(tm) =	ssettm $0x1  }
0x93: {  	s5 =	sld [smem:$0x3FFB];
	_ =	sdelay $0x3  }
0x94: {  	_ =	strace s5  }
0x95: {  	s5 =	sld [smem:$0x3FFC];
	_ =	sdelay $0x3  }
0x96: {  	_ =	strace s5  }
0x97: {  	s5 =	sld [smem:$0x3FFD];
	_ =	sdelay $0x3  }
0x98: {  	_ =	strace s5  }
0x99: {  	_ =	strace $0x8FFFFFFF  }
0x9a: {  	s19 =	sld [smem:$0x3FDB];
	_ =	sdelay $0x1  }
0x9b: {  	s6 =	simm.s32 $_scs_section_size  }
0x9c: {  	s7 =	simm.s32 $_size__tile_overlayer_lowered;
	s8 =	simm.s32 $_tile_overlayer_lowered  }
0x9d: {  	s22 =	simm.s32 $0x1BFF;
	s21 =	sshll.u32 s8, $0x1;
	s5 =	sadd.s32 s6, s19  }
0x9e: {  	s9 =	simm.s32 $0x0;
	s20 =	sshll.u32 s7, $0x1;
	s7 =	sadd.s32 s21, s5  }
0x9f: {  	[timem:s9], [sflag:s22] =	dma.local [hbm:s7], s20  }
0xa0: {  	_ =	swait.ge [sflag:s22], s20  }
0xa1: {  	s6 =	ssub.s32 $0x0, s20;
	[sflag:s22] =	ssyncset.done $0x0  }
0xa2: {  	[sflag:s22] =	ssyncadd.s32 s6;
	_ =	sdelay $0x1  }
0xa3: {  	s23 =	simm.s32 $0x1B8B  }
0xa4: {  	_ =	swait.ge [sflag:s23], $0x1  }
0xa5: {  	[sflag:s23] =	ssyncset.done $0x0  }
0xa6: {  	s25 =	simm.s32 $0x1B8E;
	s24 =	sld [smem:$0x3FFE];
	[sflag:s23] =	ssyncadd.s32 $0xFFFFFFFF  }
0xa7: {  	s26 =	simm.s32 $execute0_lowered;
	[smem:$0x3FD2] =	sst s25  }
0xa8: {  	s7 =	sshll.u32 s26, $0x1;
	_ =	strace $0x80000046;
	[dreg:$0x1] =	wrdreg $0xFFFFFFFF  }
0xa9: {  	s28 =	simm.s32 $_size_execute0_lowered;
	s5 =	sadd.s32 s5, s7;
	[dreg:$0x0] =	wrdreg $0x0  }
0xaa: {  	s7 =	sshll.u32 s28, $0x1;
	[dreg:$0x2] =	wrdreg s5  }
0xab: {  	[dreg:$0x3] =	wrdreg s7  }
0xac: {  	[dreg:$0x4] =	wrdreg $0xC0  }
0xad: {  	_ =	task [dreg:s9], $0x5FFFF  }
0xae: {  	[dreg:$0x1] =	wrdreg $0xFFFFFFFF  }
0xaf: {  	[dreg:$0x0] =	wrdreg $0x60  }
0xb0: {  	[dreg:$0x2] =	wrdreg s24  }
0xb1: {  	[dreg:$0x3] =	wrdreg s4  }
0xb2: {  	[dreg:$0x4] =	wrdreg s2  }
0xb3: {  	[dreg:$0x5] =	wrdreg s18  }
0xb4: {  	[dreg:$0x6] =	wrdreg $0x9  }
0xb5: {  	_ =	task.clear_ibuf [dreg:s9], $0x7FFFF;
	_ =	strace $0x90000046  }
0xb6: {  	s29 =	simm.s32 $0x9;
	_ =	strace $0x80000048  }
0xb7: {  	_ =	swait.ge [sflag:s29], $0x1  }
0xb8: {  	[sflag:s29] =	ssyncadd.s32 $0xFFFFFFFF  }
0xb9: {  	_ =	strace $0x90000048  }
0xba: {  	_ =	sfence  }
0xbb: {  	s30 =	sld [smem:$0x0];
	_ =	sdelay $0x2  }
0xbc: {  	s31 =	sshll.u32 s1, $0xD;
	s1 =	sshrl.u32 s1, $0x2  }
0xbd: {  	s3 =	sand.u32 $0x4000, s31;
	s1 =	sadd.s32 s1, s30  }
0xbe: {  	s0 =	sor.u32 s3, s0;
	s1 =	sshll.u32 s1, $0x11  }
0xbf: {  	s0 =	sor.u32 s1, s0  }
0xc0: {  	s0 =	sadd.s32 $0x8F2B, s0  }
0xc1: {  	[sflag:s0] =	ssyncadd.remote.s32 $0x1  }
0xc2: {  	_ =	sfence.sel $0xFFFF  }
0xc3: {  	[dreg:$0x0] =	wrdreg $0xFFFFFFFF;
	(pc) =	sbr.abs _section_cstart, $3  }
0xc4: {  	[dreg:$0x1] =	wrdreg $0xFFFFFFFF  }
0xc5: {  	_ =	task.clear_ibuf [dreg:s9], $0x2FFFF;
	_ =	strace $0x9FFFFFFF  }
0xc6: {  	(tm) =	ssettm $0x7FFFFFFF  }
0xc7: {  	_ =	shalt  }
tec
execute0_lowered:
.L_overlay_start_1:
0x0: {  	(tag) =	ssettag $0x1  }
0x1: {  	s6 =	rddreg [dreg:$0x0]  }
0x2: {  	s1 =	rddreg [dreg:$0x1]  }
0x3: {  	s7 =	rddreg [dreg:$0x2]  }
0x4: {  	s8 =	rddreg [dreg:$0x3]  }
0x5: {  	s0 =	rddreg [dreg:$0x4]  }
0x6: {  	s3 =	simm.s32 $0x0;
	s4 =	srdreg.scid;
	s2 =	stileid.u32  }
0x7: {  	s13 =	simm.s32 $0x200;
	s14 =	simm.s32 $0xC00;
	s15 =	simm.s32 $0x3  }
0x8: {  	s16 =	simm.s32 $0x100;
	s17 =	simm.s32 $0x1000;
	s18 =	simm.s32 $0x9000  }
0x9: {  	s19 =	simm.s32 $0x1;
	s20 =	simm.s32 $0x2;
	s21 =	simm.s32 $0x300  }
0xa: {  	s22 =	simm.s32 $0xE00;
	s23 =	simm.s32 $0x0;
	[smem:$0x7FF] =	sst s3  }
0xb: {  	s4 =	sand.u32 $0x1, s4;
	s5 =	sshll.u32 s2, $0x7;
	_ =	strace $0x80000047  }
0xc: {  	s9 =	sshll.u32 s4, $0x6;
	s10 =	ssub.s32 $0x2, s4;
	s4 =	sadd.s32 $0xA00, s6  }
0xd: {  	s9 =	sor.u32 s9, s5;
	s11 =	sshrl.u32 s10, $0x1;
	s5 =	sadd.s32 $0x200A00, s6  }
0xe: {  	s12 =	sadd.s32 s9, s6;
	s10 =	ssub.s32 s10, s11;
	s6 =	sadd.s32 s7, s9  }
0xf: {  	v0 =	vlaneseq.u32;
	s7 =	sadd.s32 s8, s9;
	s11 =	simm.s32 $0x4;
	s8 =	sadd.s32 $0x400A00, s12  }
0x10: {  	v0 =	vmul.u32 $0x80, v0;
	s9 =	smax.u32 s10, $0x1;
	s10 =	simm.s32 $0xA00;
	s12 =	simm.s32 $0x800  }
.LBB2_1:
0x11: {  	[tilespmem:s10], [sflag:$0x4] =	stream.linear.gather [hbm4b:s6+s3], $0x200, $0x38;
	[tilespmem:$0x11000] =	vst v63  }
0x12: {  	_ =	swait.ge [sflag:s11], $0x200  }
0x13: {  	[sflag:s11] =	ssyncset.done $0x0  }
0x14: {  	[sflag:s11] =	ssyncadd.s32 $0xFFFFFE00  }
0x15: {  	[tilespmem:s12], [sflag:$0x4] =	stream.linear.gather [hbm4b:s7+s3], $0x200, $0x38;
	[tilespmem:$0x11000] =	vst v63  }
0x16: {  	_ =	swait.ge [sflag:s11], $0x200  }
0x17: {  	[sflag:s11] =	ssyncset.done $0x0  }
0x18: {  	s25 =	simm.s32 $0x0;
	[sflag:s11] =	ssyncadd.s32 $0xFFFFFE00  }
0x19: {  	[tilespmem:s14], [sflag:$0x3] =	stream.indirect.gather [hbm4b:s1+s13], $0x1, s12, s13, $0xb8;
	[tilespmem:$0x11000] =	vst v63  }
0x1a: {  	v3 =	vld [tilespmem:s25+$0x800]  }
0x1b: {  	v4 =	vld [tilespmem:s25+$0xA00];
	_ =	sdelay $0x3  }
0x1c: {  	s24 =	simm.s32 $0x10;
	v2 =	vshra.s32 v3, $0x3  }
0x1d: {  	v1 =	vld [tilespmem:s24+$0x800];
	v5 =	vshra.s32 v4, $0x3;
	v8 =	vand.u32 $0x1FFF, v4;
	v4 =	vshrl.u32 v4, $0x9  }
0x1e: {  	v7 =	vand.u32 $0x1FFF, v3;
	v6 =	vand.u32 $0xFFFFE000, v2;
	v2 =	vld [tilespmem:s24+$0xA00];
	v4 =	vand.u32 $0x70, v4  }
0x1f: {  	v5 =	vand.u32 $0xFFFFE000, v5;
	v6 =	vor.u32 v7, v6;
	[tilespmem:s25+$0x400] =	vst v4  }
0x20: {  	v3 =	vshrl.u32 v3, $0x9;
	v5 =	vor.u32 v8, v5;
	[tilespmem:s25+$0x200] =	vst v6  }
0x21: {  	s26 =	simm.s32 $0x80;
	v3 =	vand.u32 $0x70, v3;
	[tilespmem:s25+$0x0] =	vst v5  }
.LBB2_2:
0x22: {  	s28 =	sshra.s32 s26, $0x2;
	p0 =	sne.s32 s26, $0x7C0;
	s26 =	sadd.s32 $0x40, s26;
	v4 =	vshra.s32 v1, $0x3;
	v5 =	vshrl.u32 v1, $0x9;
	[tilespmem:s25+$0x600] =	vst v3  }
.Ltmp0:
0x23: {  	v6 =	vand.u32 $0x1FFF, v1;
	s25 =	smov.u32 s24;
	v3 =	vshra.s32 v2, $0x3;
	v4 =	vand.u32 $0xFFFFE000, v4;
	v1 =	vld [tilespmem:s28+$0x800];
	v7 =	vmovc v2;
	s24 =	smov.u32 s28;
	(pc) =	sbr.rel @p0 .LBB2_2-.Ltmp0, $4  }
0x24: {  	v2 =	vld [tilespmem:s24+$0xA00];
	v3 =	vand.u32 $0xFFFFE000, v3;
	v8 =	vand.u32 $0x1FFF, v7;
	v4 =	vor.u32 v6, v4  }
0x25: {  	v7 =	vshrl.u32 v7, $0x9;
	v6 =	vor.u32 v8, v3;
	[tilespmem:s25+$0x200] =	vst v4;
	v3 =	vand.u32 $0x70, v5  }
0x26: {  	v4 =	vand.u32 $0x70, v7;
	[tilespmem:s25+$0x0] =	vst v6  }
0x27: {  	[tilespmem:s25+$0x400] =	vst v4  }
0x28: {  	v4 =	vshra.s32 v1, $0x3;
	v6 =	vand.u32 $0x1FFF, v1;
	v1 =	vshrl.u32 v1, $0x9  }
0x29: {  	[tilespmem:s25+$0x600] =	vst v3;
	v5 =	vshra.s32 v2, $0x3;
	v4 =	vand.u32 $0xFFFFE000, v4;
	v1 =	vand.u32 $0x70, v1  }
0x2a: {  	v3 =	vand.u32 $0xFFFFE000, v5;
	v5 =	vand.u32 $0x1FFF, v2;
	v4 =	vor.u32 v6, v4;
	[tilespmem:s24+$0x600] =	vst v1  }
0x2b: {  	v2 =	vshrl.u32 v2, $0x9;
	v3 =	vor.u32 v5, v3;
	[tilespmem:s24+$0x200] =	vst v4  }
0x2c: {  	v2 =	vand.u32 $0x70, v2;
	[tilespmem:s24+$0x0] =	vst v3  }
0x2d: {  	[tilespmem:s24+$0x400] =	vst v2  }
0x2e: {  	_ =	swait.ge [sflag:s15], $0x200  }
0x2f: {  	[sflag:s15] =	ssyncset.done $0x0  }
0x30: {  	s26 =	simm.s32 $0x0;
	[sflag:s15] =	ssyncadd.s32 $0xFFFFFE00  }
0x31: {  	[tilespmem:s17], [sflag:$0x1] =	stream.indirect.gather [hbm4b:s4+s16], $0x80, s26, s16, $0xb8;
	[tilespmem:$0x11000] =	vst v63  }
0x32: {  	_ = 	snop  }
0x33: {  	[tilespmem:s18], [sflag:$0x2] =	stream.indirect.gather [hbm4b:s5+s16], $0x80, s13, s16, $0xb8;
	[tilespmem:$0x11000] =	vst v63  }
0x34: {  	_ =	swait.ge [sflag:s19], $0x8000  }
0x35: {  	[sflag:s19] =	ssyncset.done $0x0  }
0x36: {  	[sflag:s19] =	ssyncadd.s32 $0xFFFF8000  }
0x37: {  	_ =	swait.ge [sflag:s20], $0x8000  }
0x38: {  	[sflag:s20] =	ssyncset.done $0x0  }
0x39: {  	s30 =	simm.s32 $0x400;
	[sflag:s20] =	ssyncadd.s32 $0xFFFF8000  }
0x3a: {  	v2 =	vld [tilespmem:s30+$0x0];
	_ =	sdelay $0x2  }
0x3b: {  	v1 =	vmov s26  }
0x3c: {  	v1 =	vshll.u32 v1, $0x7  }
0x3d: {  	v1 =	vor.u32 v0, v1;
	v4 =	vadd.s32 $0xE, v2;
	v5 =	vadd.s32 $0xF, v2  }
0x3e: {  	v6 =	vadd.s32 $0xB, v2;
	v7 =	vadd.s32 $0xC, v2;
	v8 =	vadd.s32 $0xD, v2  }
0x3f: {  	v9 =	vadd.s32 $0x8, v2;
	v10 =	vadd.s32 $0x9, v2;
	v11 =	vadd.s32 $0xA, v2  }
0x40: {  	v12 =	vadd.s32 $0x5, v2;
	v13 =	vadd.s32 $0x6, v2;
	v14 =	vadd.s32 $0x7, v2  }
0x41: {  	v15 =	vadd.s32 $0x2, v2;
	v16 =	vadd.s32 $0x3, v2;
	v17 =	vadd.s32 $0x4, v2  }
0x42: {  	v18 =	vand.u32 $0xFFFFFF80, v2;
	v19 =	vand.u32 $0x7F, v2;
	v20 =	vadd.s32 $0x1, v2  }
0x43: {  	v3 =	vand.u32 $0x7F, v4;
	v21 =	vand.u32 $0xFFFFFF80, v5;
	v2 =	vand.u32 $0x7F, v5  }
0x44: {  	v22 =	vand.u32 $0xFFFFFF80, v8;
	v23 =	vand.u32 $0x7F, v8;
	v4 =	vand.u32 $0xFFFFFF80, v4  }
0x45: {  	v24 =	vand.u32 $0x7F, v6;
	v8 =	vand.u32 $0xFFFFFF80, v7;
	v25 =	vand.u32 $0x7F, v7  }
0x46: {  	v7 =	vand.u32 $0xFFFFFF80, v11;
	v11 =	vand.u32 $0x7F, v11;
	v6 =	vand.u32 $0xFFFFFF80, v6  }
0x47: {  	v26 =	vand.u32 $0x7F, v9;
	v27 =	vand.u32 $0xFFFFFF80, v10;
	v10 =	vand.u32 $0x7F, v10  }
0x48: {  	v28 =	vand.u32 $0xFFFFFF80, v14;
	v14 =	vand.u32 $0x7F, v14;
	v9 =	vand.u32 $0xFFFFFF80, v9  }
0x49: {  	v29 =	vand.u32 $0x7F, v12;
	v30 =	vand.u32 $0xFFFFFF80, v13;
	v13 =	vand.u32 $0x7F, v13  }
0x4a: {  	v31 =	vand.u32 $0xFFFFFF80, v17;
	v17 =	vand.u32 $0x7F, v17;
	v12 =	vand.u32 $0xFFFFFF80, v12  }
0x4b: {  	v32 =	vand.u32 $0x7F, v15;
	v33 =	vand.u32 $0xFFFFFF80, v16;
	v16 =	vand.u32 $0x7F, v16  }
0x4c: {  	v34 =	vand.u32 $0xFFFFFF80, v20;
	v20 =	vand.u32 $0x7F, v20;
	v15 =	vand.u32 $0xFFFFFF80, v15  }
0x4d: {  	v18 =	vadd.s32 v1, v18;
	v5 =	vadd.s32 v1, v4;
	v4 =	vadd.s32 v1, v21  }
0x4e: {  	v21 =	vadd.s32 v1, v6;
	v6 =	vadd.s32 v1, v8;
	v22 =	vadd.s32 v1, v22  }
0x4f: {  	v9 =	vadd.s32 v1, v9;
	v27 =	vadd.s32 v1, v27;
	v35 =	vadd.s32 v1, v7  }
0x50: {  	v12 =	vadd.s32 v1, v12;
	v30 =	vadd.s32 v1, v30;
	v28 =	vadd.s32 v1, v28  }
0x51: {  	s31 =	simm.s32 $0x600;
	v15 =	vadd.s32 v1, v15;
	v33 =	vadd.s32 v1, v33;
	v31 =	vadd.s32 v1, v31  }
0x52: {  	v7 =	vld [tilespmem:s31+$0x0];
	v18 =	vor.u32 v19, v18;
	v19 =	vadd.s32 v1, v34;
	v8 =	vor.u32 v25, v6  }
0x53: {  	v6 =	vor.u32 v23, v22;
	v10 =	vor.u32 v10, v27;
	v11 =	vor.u32 v11, v35  }
0x54: {  	v21 =	vor.u32 v24, v21;
	v13 =	vor.u32 v13, v30;
	v14 =	vor.u32 v14, v28  }
0x55: {  	v9 =	vor.u32 v26, v9;
	v16 =	vor.u32 v16, v33;
	v17 =	vor.u32 v17, v31  }
0x56: {  	v12 =	vor.u32 v29, v12;
	v19 =	vor.u32 v20, v19;
	v15 =	vor.u32 v32, v15  }
0x57: {  	v3 =	vor.u32 v3, v5;
	v20 =	vand.u32 $0xFFFFFF80, v7;
	v22 =	vand.u32 $0x7F, v7  }
0x58: {  	v23 =	vadd.s32 $0xD, v7;
	v24 =	vadd.s32 $0x1, v7;
	v26 =	vadd.s32 $0xC, v7  }
0x59: {  	v27 =	vadd.s32 $0x2, v7;
	v28 =	vadd.s32 $0xB, v7;
	v20 =	vadd.s32 v1, v20  }
0x5a: {  	v29 =	vadd.s32 $0x3, v7;
	v25 =	vand.u32 $0xFFFFFF80, v24;
	v20 =	vor.u32 v22, v20  }
0x5b: {  	v30 =	vadd.s32 $0xA, v7;
	v24 =	vand.u32 $0x7F, v24;
	v25 =	vadd.s32 v1, v25  }
0x5c: {  	s25 =	simm.s32 $0xC00;
	v31 =	vadd.s32 $0x4, v7;
	v24 =	vor.u32 v24, v25;
	v25 =	vand.u32 $0xFFFFFF80, v27  }
0x5d: {  	v50 =	vld [tilespmem:s25+$0x0];
	v51 =	vadd.s32 $0x9, v7;
	v27 =	vand.u32 $0x7F, v27;
	v25 =	vadd.s32 v1, v25  }
0x5e: {  	v18 =	vld.idx.msk [tilespmem:v18+s17+$0x0], $0xffff;
	v52 =	vadd.s32 $0x5, v7;
	v25 =	vor.u32 v27, v25;
	v27 =	vand.u32 $0xFFFFFF80, v29  }
0x5f: {  	v53 =	vadd.s32 $0x6, v7;
	v29 =	vand.u32 $0x7F, v29;
	v27 =	vadd.s32 v1, v27;
	v20 =	vld.idx.msk [tilespmem:v20+s18+$0x0], $0xffff  }
0x60: {  	v54 =	vadd.s32 $0x7, v7;
	v19 =	vld.idx.msk [tilespmem:v19+s17+$0x0], $0xffff;
	v27 =	vor.u32 v29, v27;
	v29 =	vand.u32 $0xFFFFFF80, v31  }
0x61: {  	v55 =	vadd.s32 $0x8, v7;
	v31 =	vand.u32 $0x7F, v31;
	v29 =	vadd.s32 v1, v29;
	v24 =	vld.idx.msk [tilespmem:v24+s18+$0x0], $0xffff  }
0x62: {  	v5 =	vadd.s32 $0xF, v7;
	v15 =	vld.idx.msk [tilespmem:v15+s17+$0x0], $0xffff;
	v29 =	vor.u32 v31, v29;
	v31 =	vand.u32 $0xFFFFFF80, v52  }
0x63: {  	v34 =	vand.u32 $0x7F, v52;
	v35 =	vand.u32 $0x7F, v53;
	v25 =	vld.idx.msk [tilespmem:v25+s18+$0x0], $0xffff;
	v31 =	vadd.s32 v1, v31  }
0x64: {  	v16 =	vld.idx.msk [tilespmem:v16+s17+$0x0], $0xffff;
	v31 =	vor.u32 v34, v31;
	v18 =	vmul.f32 v20, v18;
	v20 =	vand.u32 $0xFFFFFF80, v53  }
0x65: {  	v56 =	vand.u32 $0xFFFFFF80, v54;
	v57 =	vand.u32 $0xFFFFFF80, v55;
	v27 =	vld.idx.msk [tilespmem:v27+s18+$0x0], $0xffff;
	v20 =	vadd.s32 v1, v20  }
0x66: {  	v17 =	vld.idx.msk [tilespmem:v17+s17+$0x0], $0xffff;
	v19 =	vmul.f32 v24, v19;
	v20 =	vor.u32 v35, v20;
	v18 =	vadd.f32 v18, v50  }
0x67: {  	v58 =	vand.u32 $0x7F, v55;
	v34 =	vand.u32 $0x7F, v54;
	v24 =	vadd.s32 v1, v56;
	v29 =	vld.idx.msk [tilespmem:v29+s18+$0x0], $0xffff  }
0x68: {  	v12 =	vld.idx.msk [tilespmem:v12+s17+$0x0], $0xffff;
	v24 =	vor.u32 v34, v24;
	v15 =	vmul.f32 v25, v15;
	v18 =	vadd.f32 v19, v18  }
0x69: {  	v59 =	vand.u32 $0x7F, v51;
	v19 =	vadd.s32 v1, v57;
	v25 =	vld.idx.msk [tilespmem:v31+s18+$0x0], $0xffff;
	v31 =	vand.u32 $0xFFFFFF80, v51  }
0x6a: {  	v13 =	vld.idx.msk [tilespmem:v13+s17+$0x0], $0xffff;
	v19 =	vor.u32 v58, v19;
	v16 =	vmul.f32 v27, v16;
	v15 =	vadd.f32 v15, v18  }
0x6b: {  	v22 =	vadd.s32 $0xE, v7;
	v27 =	vand.u32 $0xFFFFFF80, v30;
	v18 =	vadd.s32 v1, v31;
	v20 =	vld.idx.msk [tilespmem:v20+s18+$0x0], $0xffff  }
0x6c: {  	v14 =	vld.idx.msk [tilespmem:v14+s17+$0x0], $0xffff;
	v18 =	vor.u32 v59, v18;
	v15 =	vadd.f32 v16, v15;
	v16 =	vmul.f32 v29, v17  }
0x6d: {  	v30 =	vand.u32 $0x7F, v30;
	v24 =	vld.idx.msk [tilespmem:v24+s18+$0x0], $0xffff;
	v17 =	vadd.s32 v1, v27;
	v27 =	vand.u32 $0xFFFFFF80, v28  }
0x6e: {  	v9 =	vld.idx.msk [tilespmem:v9+s17+$0x0], $0xffff;
	v17 =	vor.u32 v30, v17;
	v12 =	vmul.f32 v25, v12;
	v15 =	vadd.f32 v16, v15  }
0x6f: {  	v28 =	vand.u32 $0x7F, v28;
	v25 =	vand.u32 $0xFFFFFF80, v26;
	v16 =	vadd.s32 v1, v27;
	v19 =	vld.idx.msk [tilespmem:v19+s18+$0x0], $0xffff  }
0x70: {  	v10 =	vld.idx.msk [tilespmem:v10+s17+$0x0], $0xffff;
	v16 =	vor.u32 v28, v16;
	v12 =	vadd.f32 v12, v15;
	v13 =	vmul.f32 v20, v13  }
0x71: {  	v26 =	vand.u32 $0x7F, v26;
	v15 =	vadd.s32 v1, v25;
	v18 =	vld.idx.msk [tilespmem:v18+s18+$0x0], $0xffff;
	v20 =	vand.u32 $0xFFFFFF80, v23  }
0x72: {  	v11 =	vld.idx.msk [tilespmem:v11+s17+$0x0], $0xffff;
	v15 =	vor.u32 v26, v15;
	v12 =	vadd.f32 v13, v12;
	v13 =	vmul.f32 v24, v14  }
0x73: {  	v23 =	vand.u32 $0x7F, v23;
	v14 =	vadd.s32 v1, v20;
	v17 =	vld.idx.msk [tilespmem:v17+s18+$0x0], $0xffff;
	v20 =	vand.u32 $0xFFFFFF80, v22  }
0x74: {  	v21 =	vld.idx.msk [tilespmem:v21+s17+$0x0], $0xffff;
	v14 =	vor.u32 v23, v14;
	v9 =	vmul.f32 v19, v9;
	v12 =	vadd.f32 v13, v12  }
0x75: {  	v22 =	vand.u32 $0x7F, v22;
	v13 =	vadd.s32 v1, v20;
	v7 =	vld.idx.msk [tilespmem:v16+s18+$0x0], $0xffff;
	v16 =	vand.u32 $0xFFFFFF80, v5  }
0x76: {  	v8 =	vld.idx.msk [tilespmem:v8+s17+$0x0], $0xffff;
	v13 =	vor.u32 v22, v13;
	v10 =	vmul.f32 v18, v10;
	v9 =	vadd.f32 v9, v12  }
0x77: {  	v2 =	vor.u32 v2, v4;
	v4 =	vand.u32 $0x7F, v5;
	v1 =	vadd.s32 v1, v16;
	v5 =	vld.idx.msk [tilespmem:v15+s18+$0x0], $0xffff  }
0x78: {  	v6 =	vld.idx.msk [tilespmem:v6+s17+$0x0], $0xffff;
	v1 =	vor.u32 v4, v1;
	v4 =	vadd.f32 v10, v9;
	v9 =	vmul.f32 v17, v11  }
0x79: {  	v10 =	vld.idx.msk [tilespmem:v14+s18+$0x0], $0xffff  }
0x7a: {  	v3 =	vld.idx.msk [tilespmem:v3+s17+$0x0], $0xffff;
	v7 =	vmul.f32 v7, v21;
	v4 =	vadd.f32 v9, v4  }
0x7b: {  	v9 =	vld.idx.msk [tilespmem:v13+s18+$0x0], $0xffff  }
0x7c: {  	v2 =	vld.idx.msk [tilespmem:v2+s17+$0x0], $0xffff;
	v5 =	vmul.f32 v5, v8;
	v4 =	vadd.f32 v7, v4  }
0x7d: {  	v1 =	vld.idx.msk [tilespmem:v1+s18+$0x0], $0xffff  }
0x7e: {  	v4 =	vadd.f32 v5, v4;
	v5 =	vmul.f32 v10, v6;
	_ =	sdelay $0x1  }
0x7f: {  	v3 =	vmul.f32 v9, v3;
	v4 =	vadd.f32 v5, v4;
	_ =	sdelay $0x1  }
0x80: {  	v1 =	vmul.f32 v1, v2;
	v3 =	vadd.f32 v3, v4;
	_ =	sdelay $0x1  }
0x81: {  	v1 =	vadd.f32 v1, v3  }
0x82: {  	s24 =	simm.s32 $0xE00  }
0x83: {  	s26 =	simm.s32 $0x410;
	[tilespmem:s24+$0x0] =	vst v1  }
0x84: {  	v2 =	vld [tilespmem:s26+$0x0];
	_ =	sdelay $0x1  }
0x85: {  	s28 =	simm.s32 $0x10  }
0x86: {  	v1 =	vmov s28  }
0x87: {  	v1 =	vshll.u32 v1, $0x7  }
0x88: {  	v1 =	vor.u32 v0, v1;
	v3 =	vadd.s32 $0xE, v2;
	v4 =	vadd.s32 $0xF, v2  }
0x89: {  	v5 =	vadd.s32 $0xB, v2;
	v6 =	vadd.s32 $0xC, v2;
	v7 =	vadd.s32 $0xD, v2  }
0x8a: {  	v11 =	vadd.s32 $0x8, v2;
	v9 =	vadd.s32 $0x9, v2;
	v8 =	vadd.s32 $0xA, v2  }
0x8b: {  	v14 =	vadd.s32 $0x5, v2;
	v15 =	vadd.s32 $0x6, v2;
	v12 =	vadd.s32 $0x7, v2  }
0x8c: {  	v20 =	vadd.s32 $0x2, v2;
	v18 =	vadd.s32 $0x3, v2;
	v16 =	vadd.s32 $0x4, v2  }
0x8d: {  	v21 =	vand.u32 $0xFFFFFF80, v2;
	v29 =	vand.u32 $0x7F, v2;
	v2 =	vadd.s32 $0x1, v2  }
0x8e: {  	v30 =	vand.u32 $0x7F, v3;
	v22 =	vand.u32 $0xFFFFFF80, v4;
	v4 =	vand.u32 $0x7F, v4  }
0x8f: {  	v23 =	vand.u32 $0xFFFFFF80, v7;
	v31 =	vand.u32 $0x7F, v7;
	v3 =	vand.u32 $0xFFFFFF80, v3  }
0x90: {  	v7 =	vand.u32 $0x7F, v5;
	v24 =	vand.u32 $0xFFFFFF80, v6;
	v60 =	vand.u32 $0x7F, v6  }
0x91: {  	v6 =	vand.u32 $0xFFFFFF80, v8;
	v8 =	vand.u32 $0x7F, v8;
	v5 =	vand.u32 $0xFFFFFF80, v5  }
0x92: {  	v10 =	vand.u32 $0x7F, v11;
	v25 =	vand.u32 $0xFFFFFF80, v9;
	v9 =	vand.u32 $0x7F, v9  }
0x93: {  	v26 =	vand.u32 $0xFFFFFF80, v12;
	v13 =	vand.u32 $0x7F, v12;
	v11 =	vand.u32 $0xFFFFFF80, v11  }
0x94: {  	v12 =	vand.u32 $0x7F, v14;
	v27 =	vand.u32 $0xFFFFFF80, v15;
	v17 =	vand.u32 $0x7F, v15  }
0x95: {  	v28 =	vand.u32 $0xFFFFFF80, v16;
	v16 =	vand.u32 $0x7F, v16;
	v14 =	vand.u32 $0xFFFFFF80, v14  }
0x96: {  	v15 =	vand.u32 $0x7F, v20;
	v61 =	vand.u32 $0xFFFFFF80, v18;
	v19 =	vand.u32 $0x7F, v18  }
0x97: {  	v62 =	vand.u32 $0xFFFFFF80, v2;
	v18 =	vand.u32 $0x7F, v2;
	v2 =	vand.u32 $0xFFFFFF80, v20  }
0x98: {  	v63 =	vadd.s32 v1, v21;
	v3 =	vadd.s32 v1, v3;
	v36 =	vadd.s32 v1, v22  }
0x99: {  	v20 =	vadd.s32 v1, v5;
	v5 =	vadd.s32 v1, v24;
	v37 =	vadd.s32 v1, v23  }
0x9a: {  	v21 =	vadd.s32 v1, v11;
	v11 =	vadd.s32 v1, v25;
	v24 =	vadd.s32 v1, v6  }
0x9b: {  	v22 =	vadd.s32 v1, v14;
	v25 =	vadd.s32 v1, v27;
	v26 =	vadd.s32 v1, v26  }
0x9c: {  	s28 =	simm.s32 $0x610;
	v23 =	vadd.s32 v1, v2;
	v27 =	vadd.s32 v1, v61;
	v28 =	vadd.s32 v1, v28  }
0x9d: {  	v14 =	vor.u32 v29, v63;
	v29 =	vadd.s32 v1, v62;
	v6 =	vld [tilespmem:s28+$0x0];
	v2 =	vor.u32 v4, v36  }
0x9e: {  	s29 =	simm.s32 $0x20;
	v5 =	vor.u32 v60, v5;
	v4 =	vor.u32 v31, v37;
	v3 =	vor.u32 v30, v3  }
.LBB2_4:
0x9f: {  	p0 =	sne.s32 s29, $0xF0;
	v11 =	vor.u32 v9, v11;
	v9 =	vor.u32 v8, v24;
	v8 =	vor.u32 v7, v20  }
0xa0: {  	v17 =	vor.u32 v17, v25;
	v13 =	vor.u32 v13, v26;
	v20 =	vor.u32 v10, v21  }
0xa1: {  	v19 =	vor.u32 v19, v27;
	v16 =	vor.u32 v16, v28;
	v12 =	vor.u32 v12, v22  }
0xa2: {  	v18 =	vor.u32 v18, v29;
	v15 =	vor.u32 v15, v23;
	v7 =	vadd.s32 $0xF, v6  }
0xa3: {  	v21 =	vand.u32 $0xFFFFFF80, v6;
	v22 =	vadd.s32 $0xD, v6;
	v10 =	vadd.s32 $0xE, v6  }
0xa4: {  	v23 =	vand.u32 $0x7F, v6;
	v24 =	vadd.s32 $0x1, v6;
	v21 =	vadd.s32 v1, v21  }
0xa5: {  	v25 =	vadd.s32 $0xC, v6;
	v21 =	vor.u32 v23, v21;
	v23 =	vand.u32 $0xFFFFFF80, v24  }
0xa6: {  	v26 =	vadd.s32 $0x2, v6;
	v24 =	vand.u32 $0x7F, v24;
	v23 =	vadd.s32 v1, v23  }
0xa7: {  	s25 =	sadd.s32 $0x10, s25;
	v27 =	vadd.s32 $0xB, v6;
	v23 =	vor.u32 v24, v23;
	v24 =	vand.u32 $0xFFFFFF80, v26  }
0xa8: {  	v29 =	vadd.s32 $0x3, v6;
	v26 =	vand.u32 $0x7F, v26;
	v24 =	vadd.s32 v1, v24;
	v28 =	vld [tilespmem:s25+$0x0]  }
0xa9: {  	v30 =	vadd.s32 $0xA, v6;
	v24 =	vor.u32 v26, v24;
	v26 =	vand.u32 $0xFFFFFF80, v29;
	v14 =	vld.idx.msk [tilespmem:v14+s17+$0x0], $0xffff  }
0xaa: {  	v31 =	vadd.s32 $0x4, v6;
	v29 =	vand.u32 $0x7F, v29;
	v26 =	vadd.s32 v1, v26;
	v21 =	vld.idx.msk [tilespmem:v21+s18+$0x0], $0xffff  }
0xab: {  	v32 =	vadd.s32 $0x9, v6;
	v26 =	vor.u32 v29, v26;
	v29 =	vand.u32 $0xFFFFFF80, v31;
	v18 =	vld.idx.msk [tilespmem:v18+s17+$0x0], $0xffff  }
0xac: {  	v33 =	vadd.s32 $0x5, v6;
	v31 =	vand.u32 $0x7F, v31;
	v29 =	vadd.s32 v1, v29;
	v23 =	vld.idx.msk [tilespmem:v23+s18+$0x0], $0xffff  }
0xad: {  	v34 =	vadd.s32 $0x8, v6;
	v29 =	vor.u32 v31, v29;
	v31 =	vand.u32 $0xFFFFFF80, v33;
	v15 =	vld.idx.msk [tilespmem:v15+s17+$0x0], $0xffff  }
0xae: {  	v35 =	vadd.s32 $0x6, v6;
	v33 =	vand.u32 $0x7F, v33;
	v31 =	vadd.s32 v1, v31;
	v24 =	vld.idx.msk [tilespmem:v24+s18+$0x0], $0xffff  }
0xaf: {  	v6 =	vadd.s32 $0x7, v6;
	v31 =	vor.u32 v33, v31;
	v33 =	vand.u32 $0xFFFFFF80, v35;
	v19 =	vld.idx.msk [tilespmem:v19+s17+$0x0], $0xffff  }
0xb0: {  	v14 =	vmul.f32 v21, v14;
	v33 =	vadd.s32 v1, v33;
	v21 =	vld.idx.msk [tilespmem:v26+s18+$0x0], $0xffff;
	v26 =	vand.u32 $0x7F, v35  }
0xb1: {  	v16 =	vld.idx.msk [tilespmem:v16+s17+$0x0], $0xffff;
	v26 =	vor.u32 v26, v33;
	v33 =	vand.u32 $0xFFFFFF80, v6;
	v6 =	vand.u32 $0x7F, v6  }
0xb2: {  	v14 =	vadd.f32 v14, v28;
	v18 =	vmul.f32 v23, v18;
	v23 =	vld.idx.msk [tilespmem:v29+s18+$0x0], $0xffff;
	v28 =	vadd.s32 v1, v33  }
0xb3: {  	v29 =	vand.u32 $0x7F, v34;
	v12 =	vld.idx.msk [tilespmem:v12+s17+$0x0], $0xffff;
	v6 =	vor.u32 v6, v28;
	v28 =	vand.u32 $0xFFFFFF80, v34  }
0xb4: {  	v14 =	vadd.f32 v18, v14;
	v15 =	vmul.f32 v24, v15;
	v18 =	vld.idx.msk [tilespmem:v31+s18+$0x0], $0xffff;
	v24 =	vadd.s32 v1, v28  }
0xb5: {  	v28 =	vand.u32 $0xFFFFFF80, v32;
	v17 =	vld.idx.msk [tilespmem:v17+s17+$0x0], $0xffff;
	v24 =	vor.u32 v29, v24;
	v29 =	vand.u32 $0x7F, v32  }
0xb6: {  	v14 =	vadd.f32 v15, v14;
	v15 =	vmul.f32 v21, v19;
	v21 =	vadd.s32 v1, v28;
	v19 =	vld.idx.msk [tilespmem:v26+s18+$0x0], $0xffff  }
0xb7: {  	v28 =	vand.u32 $0x7F, v30;
	v21 =	vor.u32 v29, v21;
	v26 =	vand.u32 $0xFFFFFF80, v30;
	v13 =	vld.idx.msk [tilespmem:v13+s17+$0x0], $0xffff  }
0xb8: {  	v14 =	vadd.f32 v15, v14;
	v15 =	vmul.f32 v23, v16;
	v16 =	vadd.s32 v1, v26;
	v6 =	vld.idx.msk [tilespmem:v6+s18+$0x0], $0xffff  }
0xb9: {  	v23 =	vand.u32 $0xFFFFFF80, v27;
	v26 =	vand.u32 $0x7F, v27;
	v16 =	vor.u32 v28, v16;
	v20 =	vld.idx.msk [tilespmem:v20+s17+$0x0], $0xffff  }
0xba: {  	v14 =	vadd.f32 v15, v14;
	v12 =	vmul.f32 v18, v12;
	v18 =	vadd.s32 v1, v23;
	v15 =	vld.idx.msk [tilespmem:v24+s18+$0x0], $0xffff  }
0xbb: {  	v23 =	vand.u32 $0xFFFFFF80, v25;
	v18 =	vor.u32 v26, v18;
	v24 =	vand.u32 $0x7F, v25;
	v11 =	vld.idx.msk [tilespmem:v11+s17+$0x0], $0xffff  }
0xbc: {  	v12 =	vadd.f32 v12, v14;
	v14 =	vmul.f32 v19, v17;
	v19 =	vadd.s32 v1, v23;
	v17 =	vld.idx.msk [tilespmem:v21+s18+$0x0], $0xffff  }
0xbd: {  	v19 =	vor.u32 v24, v19;
	v21 =	vand.u32 $0xFFFFFF80, v22;
	v22 =	vand.u32 $0x7F, v22;
	v9 =	vld.idx.msk [tilespmem:v9+s17+$0x0], $0xffff  }
0xbe: {  	v12 =	vadd.f32 v14, v12;
	v6 =	vmul.f32 v6, v13;
	v14 =	vadd.s32 v1, v21;
	v13 =	vld.idx.msk [tilespmem:v16+s18+$0x0], $0xffff  }
0xbf: {  	v14 =	vor.u32 v22, v14;
	v16 =	vand.u32 $0xFFFFFF80, v10;
	v10 =	vand.u32 $0x7F, v10;
	v8 =	vld.idx.msk [tilespmem:v8+s17+$0x0], $0xffff  }
0xc0: {  	v6 =	vadd.f32 v6, v12;
	v12 =	vmul.f32 v15, v20;
	v16 =	vadd.s32 v1, v16;
	v15 =	vld.idx.msk [tilespmem:v18+s18+$0x0], $0xffff  }
0xc1: {  	v10 =	vor.u32 v10, v16;
	v16 =	vand.u32 $0xFFFFFF80, v7;
	v7 =	vand.u32 $0x7F, v7;
	v5 =	vld.idx.msk [tilespmem:v5+s17+$0x0], $0xffff  }
0xc2: {  	v6 =	vadd.f32 v12, v6;
	v11 =	vmul.f32 v17, v11;
	v1 =	vadd.s32 v1, v16;
	v12 =	vld.idx.msk [tilespmem:v19+s18+$0x0], $0xffff  }
0xc3: {  	v1 =	vor.u32 v7, v1;
	v4 =	vld.idx.msk [tilespmem:v4+s17+$0x0], $0xffff  }
0xc4: {  	v6 =	vadd.f32 v11, v6;
	v7 =	vmul.f32 v13, v9;
	v9 =	vld.idx.msk [tilespmem:v14+s18+$0x0], $0xffff  }
0xc5: {  	v3 =	vld.idx.msk [tilespmem:v3+s17+$0x0], $0xffff  }
0xc6: {  	v6 =	vadd.f32 v7, v6;
	v7 =	vmul.f32 v15, v8;
	v8 =	vld.idx.msk [tilespmem:v10+s18+$0x0], $0xffff  }
0xc7: {  	v2 =	vld.idx.msk [tilespmem:v2+s17+$0x0], $0xffff  }
0xc8: {  	v6 =	vadd.f32 v7, v6;
	v5 =	vmul.f32 v12, v5;
	v1 =	vld.idx.msk [tilespmem:v1+s18+$0x0], $0xffff;
	_ =	sdelay $0x1  }
0xc9: {  	v5 =	vadd.f32 v5, v6;
	v4 =	vmul.f32 v9, v4;
	_ =	sdelay $0x1  }
0xca: {  	v4 =	vadd.f32 v4, v5;
	v3 =	vmul.f32 v8, v3;
	_ =	sdelay $0x1  }
0xcb: {  	v3 =	vadd.f32 v3, v4;
	v1 =	vmul.f32 v1, v2;
	_ =	sdelay $0x1  }
0xcc: {  	v1 =	vadd.f32 v1, v3  }
0xcd: {  	s24 =	sadd.s32 $0x10, s24  }
0xce: {  	s26 =	sadd.s32 $0x10, s26;
	[tilespmem:s24+$0x0] =	vst v1  }
0xcf: {  	v2 =	vld [tilespmem:s26+$0x0];
	_ =	sdelay $0x2  }
0xd0: {  	v1 =	vmov s29  }
0xd1: {  	v1 =	vshll.u32 v1, $0x7  }
0xd2: {  	v1 =	vor.u32 v0, v1;
	v3 =	vadd.s32 $0xE, v2;
	v4 =	vadd.s32 $0xF, v2  }
0xd3: {  	v5 =	vadd.s32 $0xB, v2;
	v6 =	vadd.s32 $0xC, v2;
	v7 =	vadd.s32 $0xD, v2  }
0xd4: {  	v11 =	vadd.s32 $0x8, v2;
	v9 =	vadd.s32 $0x9, v2;
	v8 =	vadd.s32 $0xA, v2  }
0xd5: {  	v14 =	vadd.s32 $0x5, v2;
	v15 =	vadd.s32 $0x6, v2;
	v12 =	vadd.s32 $0x7, v2  }
0xd6: {  	v20 =	vadd.s32 $0x2, v2;
	v18 =	vadd.s32 $0x3, v2;
	v16 =	vadd.s32 $0x4, v2  }
0xd7: {  	v21 =	vand.u32 $0xFFFFFF80, v2;
	v29 =	vand.u32 $0x7F, v2;
	v2 =	vadd.s32 $0x1, v2  }
0xd8: {  	v30 =	vand.u32 $0x7F, v3;
	v22 =	vand.u32 $0xFFFFFF80, v4;
	v4 =	vand.u32 $0x7F, v4  }
0xd9: {  	v23 =	vand.u32 $0xFFFFFF80, v7;
	v31 =	vand.u32 $0x7F, v7;
	v3 =	vand.u32 $0xFFFFFF80, v3  }
0xda: {  	v7 =	vand.u32 $0x7F, v5;
	v24 =	vand.u32 $0xFFFFFF80, v6;
	v32 =	vand.u32 $0x7F, v6  }
0xdb: {  	v6 =	vand.u32 $0xFFFFFF80, v8;
	v8 =	vand.u32 $0x7F, v8;
	v5 =	vand.u32 $0xFFFFFF80, v5  }
0xdc: {  	v10 =	vand.u32 $0x7F, v11;
	v25 =	vand.u32 $0xFFFFFF80, v9;
	v9 =	vand.u32 $0x7F, v9  }
0xdd: {  	v26 =	vand.u32 $0xFFFFFF80, v12;
	v13 =	vand.u32 $0x7F, v12;
	v11 =	vand.u32 $0xFFFFFF80, v11  }
0xde: {  	v12 =	vand.u32 $0x7F, v14;
	v27 =	vand.u32 $0xFFFFFF80, v15;
	v17 =	vand.u32 $0x7F, v15  }
0xdf: {  	v28 =	vand.u32 $0xFFFFFF80, v16;
	v16 =	vand.u32 $0x7F, v16;
	v14 =	vand.u32 $0xFFFFFF80, v14  }
0xe0: {  	v15 =	vand.u32 $0x7F, v20;
	v33 =	vand.u32 $0xFFFFFF80, v18;
	v19 =	vand.u32 $0x7F, v18  }
0xe1: {  	v34 =	vand.u32 $0xFFFFFF80, v2;
	v18 =	vand.u32 $0x7F, v2;
	v2 =	vand.u32 $0xFFFFFF80, v20  }
0xe2: {  	v35 =	vadd.s32 v1, v21;
	v3 =	vadd.s32 v1, v3;
	v36 =	vadd.s32 v1, v22  }
0xe3: {  	v20 =	vadd.s32 v1, v5;
	v5 =	vadd.s32 v1, v24;
	v37 =	vadd.s32 v1, v23  }
.Ltmp1:
0xe4: {  	v21 =	vadd.s32 v1, v11;
	v11 =	vadd.s32 v1, v25;
	v24 =	vadd.s32 v1, v6;
	(pc) =	sbr.rel @p0 .LBB2_4-.Ltmp1, $4  }
0xe5: {  	v22 =	vadd.s32 v1, v14;
	v25 =	vadd.s32 v1, v27;
	v26 =	vadd.s32 v1, v26  }
0xe6: {  	s28 =	sadd.s32 $0x10, s28;
	v23 =	vadd.s32 v1, v2;
	v27 =	vadd.s32 v1, v33;
	v28 =	vadd.s32 v1, v28  }
0xe7: {  	v14 =	vor.u32 v29, v35;
	v29 =	vadd.s32 v1, v34;
	v2 =	vor.u32 v4, v36;
	v6 =	vld [tilespmem:s28+$0x0]  }
0xe8: {  	s29 =	sadd.s32 $0x10, s29;
	v5 =	vor.u32 v32, v5;
	v4 =	vor.u32 v31, v37;
	v3 =	vor.u32 v30, v3  }
0xe9: {  	v9 =	vor.u32 v9, v11  }
0xea: {  	v8 =	vor.u32 v8, v24;
	v7 =	vor.u32 v7, v20;
	v11 =	vor.u32 v17, v25  }
0xeb: {  	v13 =	vor.u32 v13, v26;
	v10 =	vor.u32 v10, v21;
	v17 =	vor.u32 v19, v27  }
0xec: {  	v16 =	vor.u32 v16, v28;
	v12 =	vor.u32 v12, v22;
	v18 =	vor.u32 v18, v29  }
0xed: {  	v15 =	vor.u32 v15, v23;
	v19 =	vand.u32 $0xFFFFFF80, v6;
	v20 =	vadd.s32 $0xD, v6  }
0xee: {  	v21 =	vadd.s32 $0xE, v6;
	v22 =	vand.u32 $0x7F, v6;
	v23 =	vadd.s32 $0x1, v6  }
0xef: {  	v24 =	vadd.s32 $0xC, v6;
	v25 =	vadd.s32 $0x2, v6;
	v19 =	vadd.s32 v1, v19  }
0xf0: {  	v26 =	vadd.s32 $0xB, v6;
	v19 =	vor.u32 v22, v19;
	v22 =	vand.u32 $0xFFFFFF80, v23  }
0xf1: {  	v27 =	vadd.s32 $0x3, v6;
	v23 =	vand.u32 $0x7F, v23;
	v22 =	vadd.s32 v1, v22  }
0xf2: {  	v29 =	vadd.s32 $0xA, v6;
	v22 =	vor.u32 v23, v22;
	v23 =	vand.u32 $0xFFFFFF80, v25  }
0xf3: {  	s25 =	sadd.s32 $0x10, s25;
	v14 =	vld.idx.msk [tilespmem:v14+s17+$0x0], $0xffff;
	v30 =	vadd.s32 $0x4, v6;
	v25 =	vand.u32 $0x7F, v25;
	v23 =	vadd.s32 v1, v23  }
0xf4: {  	v28 =	vld [tilespmem:s25+$0x0];
	v31 =	vadd.s32 $0x9, v6;
	v23 =	vor.u32 v25, v23;
	v25 =	vand.u32 $0xFFFFFF80, v27  }
0xf5: {  	v32 =	vadd.s32 $0x5, v6;
	v27 =	vand.u32 $0x7F, v27;
	v25 =	vadd.s32 v1, v25;
	v19 =	vld.idx.msk [tilespmem:v19+s18+$0x0], $0xffff  }
0xf6: {  	v33 =	vadd.s32 $0x8, v6;
	v18 =	vld.idx.msk [tilespmem:v18+s17+$0x0], $0xffff;
	v25 =	vor.u32 v27, v25;
	v27 =	vand.u32 $0xFFFFFF80, v30  }
0xf7: {  	v34 =	vadd.s32 $0x6, v6;
	v30 =	vand.u32 $0x7F, v30;
	v27 =	vadd.s32 v1, v27;
	v22 =	vld.idx.msk [tilespmem:v22+s18+$0x0], $0xffff  }
0xf8: {  	v35 =	vadd.s32 $0x7, v6;
	v15 =	vld.idx.msk [tilespmem:v15+s17+$0x0], $0xffff;
	v27 =	vor.u32 v30, v27;
	v30 =	vand.u32 $0xFFFFFF80, v32  }
0xf9: {  	v6 =	vadd.s32 $0xF, v6;
	v32 =	vand.u32 $0x7F, v32;
	v30 =	vadd.s32 v1, v30;
	v23 =	vld.idx.msk [tilespmem:v23+s18+$0x0], $0xffff  }
0xfa: {  	v42 =	vand.u32 $0xFFFFFF80, v34;
	v17 =	vld.idx.msk [tilespmem:v17+s17+$0x0], $0xffff;
	v30 =	vor.u32 v32, v30;
	v14 =	vmul.f32 v19, v14  }
0xfb: {  	v43 =	vand.u32 $0xFFFFFF80, v35;
	v19 =	vand.u32 $0x7F, v34;
	v32 =	vadd.s32 v1, v42;
	v25 =	vld.idx.msk [tilespmem:v25+s18+$0x0], $0xffff  }
0xfc: {  	v16 =	vld.idx.msk [tilespmem:v16+s17+$0x0], $0xffff;
	v19 =	vor.u32 v19, v32;
	v14 =	vadd.f32 v14, v28;
	v18 =	vmul.f32 v22, v18  }
0xfd: {  	v44 =	vand.u32 $0x7F, v35;
	v22 =	vadd.s32 v1, v43;
	v28 =	vand.u32 $0xFFFFFF80, v33;
	v27 =	vld.idx.msk [tilespmem:v27+s18+$0x0], $0xffff  }
0xfe: {  	v12 =	vld.idx.msk [tilespmem:v12+s17+$0x0], $0xffff;
	v22 =	vor.u32 v44, v22;
	v14 =	vadd.f32 v18, v14;
	v15 =	vmul.f32 v23, v15  }
0xff: {  	v45 =	vand.u32 $0x7F, v33;
	v18 =	vadd.s32 v1, v28;
	v28 =	vand.u32 $0xFFFFFF80, v31;
	v23 =	vld.idx.msk [tilespmem:v30+s18+$0x0], $0xffff  }
0x100: {  	v11 =	vld.idx.msk [tilespmem:v11+s17+$0x0], $0xffff;
	v18 =	vor.u32 v45, v18;
	v14 =	vadd.f32 v15, v14;
	v15 =	vmul.f32 v25, v17  }
0x101: {  	v30 =	vand.u32 $0x7F, v31;
	v17 =	vadd.s32 v1, v28;
	v19 =	vld.idx.msk [tilespmem:v19+s18+$0x0], $0xffff;
	v25 =	vand.u32 $0xFFFFFF80, v29  }
0x102: {  	v13 =	vld.idx.msk [tilespmem:v13+s17+$0x0], $0xffff;
	v17 =	vor.u32 v30, v17;
	v14 =	vadd.f32 v15, v14;
	v15 =	vmul.f32 v27, v16  }
0x103: {  	v28 =	vand.u32 $0x7F, v29;
	v16 =	vadd.s32 v1, v25;
	v22 =	vld.idx.msk [tilespmem:v22+s18+$0x0], $0xffff;
	v25 =	vand.u32 $0xFFFFFF80, v26  }
0x104: {  	v10 =	vld.idx.msk [tilespmem:v10+s17+$0x0], $0xffff;
	v16 =	vor.u32 v28, v16;
	v14 =	vadd.f32 v15, v14;
	v12 =	vmul.f32 v23, v12  }
0x105: {  	v26 =	vand.u32 $0x7F, v26;
	v15 =	vadd.s32 v1, v25;
	v18 =	vld.idx.msk [tilespmem:v18+s18+$0x0], $0xffff;
	v23 =	vand.u32 $0xFFFFFF80, v24  }
0x106: {  	v9 =	vld.idx.msk [tilespmem:v9+s17+$0x0], $0xffff;
	v15 =	vor.u32 v26, v15;
	v11 =	vmul.f32 v19, v11;
	v12 =	vadd.f32 v12, v14  }
0x107: {  	v24 =	vand.u32 $0x7F, v24;
	v19 =	vand.u32 $0xFFFFFF80, v20;
	v14 =	vadd.s32 v1, v23;
	v17 =	vld.idx.msk [tilespmem:v17+s18+$0x0], $0xffff  }
0x108: {  	v8 =	vld.idx.msk [tilespmem:v8+s17+$0x0], $0xffff;
	v14 =	vor.u32 v24, v14;
	v11 =	vadd.f32 v11, v12;
	v12 =	vmul.f32 v22, v13  }
0x109: {  	v20 =	vand.u32 $0x7F, v20;
	v13 =	vadd.s32 v1, v19;
	v16 =	vld.idx.msk [tilespmem:v16+s18+$0x0], $0xffff;
	v19 =	vand.u32 $0xFFFFFF80, v21  }
0x10a: {  	v7 =	vld.idx.msk [tilespmem:v7+s17+$0x0], $0xffff;
	v13 =	vor.u32 v20, v13;
	v10 =	vmul.f32 v18, v10;
	v11 =	vadd.f32 v12, v11  }
0x10b: {  	v20 =	vand.u32 $0x7F, v21;
	v18 =	vand.u32 $0xFFFFFF80, v6;
	v12 =	vadd.s32 v1, v19;
	v15 =	vld.idx.msk [tilespmem:v15+s18+$0x0], $0xffff  }
0x10c: {  	v5 =	vld.idx.msk [tilespmem:v5+s17+$0x0], $0xffff;
	v12 =	vor.u32 v20, v12;
	v9 =	vmul.f32 v17, v9;
	v10 =	vadd.f32 v10, v11  }
0x10d: {  	v6 =	vand.u32 $0x7F, v6;
	v1 =	vadd.s32 v1, v18;
	v11 =	vld.idx.msk [tilespmem:v14+s18+$0x0], $0xffff  }
0x10e: {  	v4 =	vld.idx.msk [tilespmem:v4+s17+$0x0], $0xffff;
	v1 =	vor.u32 v6, v1;
	v8 =	vmul.f32 v16, v8;
	v6 =	vadd.f32 v9, v10  }
0x10f: {  	v9 =	vld.idx.msk [tilespmem:v13+s18+$0x0], $0xffff  }
0x110: {  	v3 =	vld.idx.msk [tilespmem:v3+s17+$0x0], $0xffff;
	v7 =	vmul.f32 v15, v7;
	v6 =	vadd.f32 v8, v6  }
0x111: {  	v8 =	vld.idx.msk [tilespmem:v12+s18+$0x0], $0xffff  }
0x112: {  	v2 =	vld.idx.msk [tilespmem:v2+s17+$0x0], $0xffff;
	v5 =	vmul.f32 v11, v5;
	v6 =	vadd.f32 v7, v6  }
0x113: {  	v1 =	vld.idx.msk [tilespmem:v1+s18+$0x0], $0xffff  }
0x114: {  	v4 =	vmul.f32 v9, v4;
	v5 =	vadd.f32 v5, v6;
	_ =	sdelay $0x1  }
0x115: {  	v3 =	vmul.f32 v8, v3;
	v4 =	vadd.f32 v4, v5;
	_ =	sdelay $0x1  }
0x116: {  	v1 =	vmul.f32 v1, v2;
	v3 =	vadd.f32 v3, v4;
	_ =	sdelay $0x1  }
0x117: {  	v1 =	vadd.f32 v1, v3  }
0x118: {  	s24 =	sadd.s32 $0x10, s24  }
0x119: {  	[tilespmem:s24+$0x0] =	vst v1  }
0x11a: {  	[tilespmem:s17], [sflag:$0x1] =	stream.indirect.gather [hbm4b:s4+s16], $0x80, s16, s16, $0xb8;
	[tilespmem:$0x11000] =	vst v63  }
0x11b: {  	_ = 	snop  }
0x11c: {  	[tilespmem:s18], [sflag:$0x2] =	stream.indirect.gather [hbm4b:s5+s16], $0x80, s21, s16, $0xb8;
	[tilespmem:$0x11000] =	vst v63  }
0x11d: {  	_ =	swait.ge [sflag:s19], $0x8000  }
0x11e: {  	[sflag:s19] =	ssyncset.done $0x0  }
0x11f: {  	[sflag:s19] =	ssyncadd.s32 $0xFFFF8000  }
0x120: {  	_ =	swait.ge [sflag:s20], $0x8000  }
0x121: {  	[sflag:s20] =	ssyncset.done $0x0  }
0x122: {  	s26 =	simm.s32 $0x500;
	[sflag:s20] =	ssyncadd.s32 $0xFFFF8000  }
0x123: {  	v2 =	vld [tilespmem:s26+$0x0];
	_ =	sdelay $0x1  }
0x124: {  	s30 =	simm.s32 $0x0  }
0x125: {  	v1 =	vmov s30  }
0x126: {  	v1 =	vshll.u32 v1, $0x7  }
0x127: {  	v1 =	vor.u32 v0, v1;
	v4 =	vadd.s32 $0xE, v2;
	v5 =	vadd.s32 $0xF, v2  }
0x128: {  	v6 =	vadd.s32 $0xB, v2;
	v7 =	vadd.s32 $0xC, v2;
	v8 =	vadd.s32 $0xD, v2  }
0x129: {  	v9 =	vadd.s32 $0x8, v2;
	v10 =	vadd.s32 $0x9, v2;
	v11 =	vadd.s32 $0xA, v2  }
0x12a: {  	v12 =	vadd.s32 $0x5, v2;
	v13 =	vadd.s32 $0x6, v2;
	v14 =	vadd.s32 $0x7, v2  }
0x12b: {  	v15 =	vadd.s32 $0x2, v2;
	v16 =	vadd.s32 $0x3, v2;
	v17 =	vadd.s32 $0x4, v2  }
0x12c: {  	v18 =	vand.u32 $0xFFFFFF80, v2;
	v19 =	vand.u32 $0x7F, v2;
	v20 =	vadd.s32 $0x1, v2  }
0x12d: {  	v3 =	vand.u32 $0x7F, v4;
	v21 =	vand.u32 $0xFFFFFF80, v5;
	v2 =	vand.u32 $0x7F, v5  }
0x12e: {  	v22 =	vand.u32 $0xFFFFFF80, v8;
	v23 =	vand.u32 $0x7F, v8;
	v4 =	vand.u32 $0xFFFFFF80, v4  }
0x12f: {  	v24 =	vand.u32 $0x7F, v6;
	v8 =	vand.u32 $0xFFFFFF80, v7;
	v25 =	vand.u32 $0x7F, v7  }
0x130: {  	v7 =	vand.u32 $0xFFFFFF80, v11;
	v11 =	vand.u32 $0x7F, v11;
	v6 =	vand.u32 $0xFFFFFF80, v6  }
0x131: {  	v26 =	vand.u32 $0x7F, v9;
	v27 =	vand.u32 $0xFFFFFF80, v10;
	v10 =	vand.u32 $0x7F, v10  }
0x132: {  	v28 =	vand.u32 $0xFFFFFF80, v14;
	v14 =	vand.u32 $0x7F, v14;
	v9 =	vand.u32 $0xFFFFFF80, v9  }
0x133: {  	v29 =	vand.u32 $0x7F, v12;
	v30 =	vand.u32 $0xFFFFFF80, v13;
	v13 =	vand.u32 $0x7F, v13  }
0x134: {  	v31 =	vand.u32 $0xFFFFFF80, v17;
	v17 =	vand.u32 $0x7F, v17;
	v12 =	vand.u32 $0xFFFFFF80, v12  }
0x135: {  	v46 =	vand.u32 $0x7F, v15;
	v47 =	vand.u32 $0xFFFFFF80, v16;
	v16 =	vand.u32 $0x7F, v16  }
0x136: {  	v48 =	vand.u32 $0xFFFFFF80, v20;
	v20 =	vand.u32 $0x7F, v20;
	v15 =	vand.u32 $0xFFFFFF80, v15  }
0x137: {  	v18 =	vadd.s32 v1, v18;
	v5 =	vadd.s32 v1, v4;
	v4 =	vadd.s32 v1, v21  }
0x138: {  	v21 =	vadd.s32 v1, v6;
	v6 =	vadd.s32 v1, v8;
	v22 =	vadd.s32 v1, v22  }
0x139: {  	v9 =	vadd.s32 v1, v9;
	v27 =	vadd.s32 v1, v27;
	v49 =	vadd.s32 v1, v7  }
0x13a: {  	v12 =	vadd.s32 v1, v12;
	v30 =	vadd.s32 v1, v30;
	v28 =	vadd.s32 v1, v28  }
0x13b: {  	s31 =	simm.s32 $0x700;
	v15 =	vadd.s32 v1, v15;
	v33 =	vadd.s32 v1, v47;
	v31 =	vadd.s32 v1, v31  }
0x13c: {  	v7 =	vld [tilespmem:s31+$0x0];
	v18 =	vor.u32 v19, v18;
	v19 =	vadd.s32 v1, v48;
	v8 =	vor.u32 v25, v6  }
0x13d: {  	v6 =	vor.u32 v23, v22;
	v10 =	vor.u32 v10, v27;
	v11 =	vor.u32 v11, v49  }
0x13e: {  	v21 =	vor.u32 v24, v21;
	v13 =	vor.u32 v13, v30;
	v14 =	vor.u32 v14, v28  }
0x13f: {  	v9 =	vor.u32 v26, v9;
	v16 =	vor.u32 v16, v33;
	v17 =	vor.u32 v17, v31  }
0x140: {  	v12 =	vor.u32 v29, v12;
	v19 =	vor.u32 v20, v19;
	v15 =	vor.u32 v46, v15  }
0x141: {  	v3 =	vor.u32 v3, v5;
	v20 =	vand.u32 $0xFFFFFF80, v7;
	v22 =	vand.u32 $0x7F, v7  }
0x142: {  	v23 =	vadd.s32 $0xD, v7;
	v24 =	vadd.s32 $0x1, v7;
	v26 =	vadd.s32 $0xC, v7  }
0x143: {  	v27 =	vadd.s32 $0x2, v7;
	v28 =	vadd.s32 $0xB, v7;
	v20 =	vadd.s32 v1, v20  }
0x144: {  	v29 =	vadd.s32 $0x3, v7;
	v25 =	vand.u32 $0xFFFFFF80, v24;
	v20 =	vor.u32 v22, v20  }
0x145: {  	v30 =	vadd.s32 $0xA, v7;
	v24 =	vand.u32 $0x7F, v24;
	v25 =	vadd.s32 v1, v25  }
0x146: {  	s25 =	simm.s32 $0xD00;
	v31 =	vadd.s32 $0x4, v7;
	v24 =	vor.u32 v24, v25;
	v25 =	vand.u32 $0xFFFFFF80, v27  }
0x147: {  	v50 =	vld [tilespmem:s25+$0x0];
	v51 =	vadd.s32 $0x9, v7;
	v27 =	vand.u32 $0x7F, v27;
	v25 =	vadd.s32 v1, v25  }
0x148: {  	v18 =	vld.idx.msk [tilespmem:v18+s17+$0x0], $0xffff;
	v52 =	vadd.s32 $0x5, v7;
	v25 =	vor.u32 v27, v25;
	v27 =	vand.u32 $0xFFFFFF80, v29  }
0x149: {  	v53 =	vadd.s32 $0x6, v7;
	v29 =	vand.u32 $0x7F, v29;
	v27 =	vadd.s32 v1, v27;
	v20 =	vld.idx.msk [tilespmem:v20+s18+$0x0], $0xffff  }
0x14a: {  	v54 =	vadd.s32 $0x7, v7;
	v19 =	vld.idx.msk [tilespmem:v19+s17+$0x0], $0xffff;
	v27 =	vor.u32 v29, v27;
	v29 =	vand.u32 $0xFFFFFF80, v31  }
0x14b: {  	v55 =	vadd.s32 $0x8, v7;
	v31 =	vand.u32 $0x7F, v31;
	v29 =	vadd.s32 v1, v29;
	v24 =	vld.idx.msk [tilespmem:v24+s18+$0x0], $0xffff  }
0x14c: {  	v5 =	vadd.s32 $0xF, v7;
	v15 =	vld.idx.msk [tilespmem:v15+s17+$0x0], $0xffff;
	v29 =	vor.u32 v31, v29;
	v31 =	vand.u32 $0xFFFFFF80, v52  }
0x14d: {  	v34 =	vand.u32 $0x7F, v52;
	v35 =	vand.u32 $0x7F, v53;
	v25 =	vld.idx.msk [tilespmem:v25+s18+$0x0], $0xffff;
	v31 =	vadd.s32 v1, v31  }
0x14e: {  	v16 =	vld.idx.msk [tilespmem:v16+s17+$0x0], $0xffff;
	v31 =	vor.u32 v34, v31;
	v18 =	vmul.f32 v20, v18;
	v20 =	vand.u32 $0xFFFFFF80, v53  }
0x14f: {  	v56 =	vand.u32 $0xFFFFFF80, v54;
	v57 =	vand.u32 $0xFFFFFF80, v55;
	v27 =	vld.idx.msk [tilespmem:v27+s18+$0x0], $0xffff;
	v20 =	vadd.s32 v1, v20  }
0x150: {  	v17 =	vld.idx.msk [tilespmem:v17+s17+$0x0], $0xffff;
	v19 =	vmul.f32 v24, v19;
	v20 =	vor.u32 v35, v20;
	v18 =	vadd.f32 v18, v50  }
0x151: {  	v58 =	vand.u32 $0x7F, v55;
	v34 =	vand.u32 $0x7F, v54;
	v24 =	vadd.s32 v1, v56;
	v29 =	vld.idx.msk [tilespmem:v29+s18+$0x0], $0xffff  }
0x152: {  	v12 =	vld.idx.msk [tilespmem:v12+s17+$0x0], $0xffff;
	v24 =	vor.u32 v34, v24;
	v15 =	vmul.f32 v25, v15;
	v18 =	vadd.f32 v19, v18  }
0x153: {  	v59 =	vand.u32 $0x7F, v51;
	v19 =	vadd.s32 v1, v57;
	v25 =	vld.idx.msk [tilespmem:v31+s18+$0x0], $0xffff;
	v31 =	vand.u32 $0xFFFFFF80, v51  }
0x154: {  	v13 =	vld.idx.msk [tilespmem:v13+s17+$0x0], $0xffff;
	v19 =	vor.u32 v58, v19;
	v16 =	vmul.f32 v27, v16;
	v15 =	vadd.f32 v15, v18  }
0x155: {  	v22 =	vadd.s32 $0xE, v7;
	v27 =	vand.u32 $0xFFFFFF80, v30;
	v18 =	vadd.s32 v1, v31;
	v20 =	vld.idx.msk [tilespmem:v20+s18+$0x0], $0xffff  }
0x156: {  	v14 =	vld.idx.msk [tilespmem:v14+s17+$0x0], $0xffff;
	v18 =	vor.u32 v59, v18;
	v15 =	vadd.f32 v16, v15;
	v16 =	vmul.f32 v29, v17  }
0x157: {  	v30 =	vand.u32 $0x7F, v30;
	v24 =	vld.idx.msk [tilespmem:v24+s18+$0x0], $0xffff;
	v17 =	vadd.s32 v1, v27;
	v27 =	vand.u32 $0xFFFFFF80, v28  }
0x158: {  	v9 =	vld.idx.msk [tilespmem:v9+s17+$0x0], $0xffff;
	v17 =	vor.u32 v30, v17;
	v12 =	vmul.f32 v25, v12;
	v15 =	vadd.f32 v16, v15  }
0x159: {  	v28 =	vand.u32 $0x7F, v28;
	v25 =	vand.u32 $0xFFFFFF80, v26;
	v16 =	vadd.s32 v1, v27;
	v19 =	vld.idx.msk [tilespmem:v19+s18+$0x0], $0xffff  }
0x15a: {  	v10 =	vld.idx.msk [tilespmem:v10+s17+$0x0], $0xffff;
	v16 =	vor.u32 v28, v16;
	v12 =	vadd.f32 v12, v15;
	v13 =	vmul.f32 v20, v13  }
0x15b: {  	v26 =	vand.u32 $0x7F, v26;
	v15 =	vadd.s32 v1, v25;
	v18 =	vld.idx.msk [tilespmem:v18+s18+$0x0], $0xffff;
	v20 =	vand.u32 $0xFFFFFF80, v23  }
0x15c: {  	v11 =	vld.idx.msk [tilespmem:v11+s17+$0x0], $0xffff;
	v15 =	vor.u32 v26, v15;
	v12 =	vadd.f32 v13, v12;
	v13 =	vmul.f32 v24, v14  }
0x15d: {  	v23 =	vand.u32 $0x7F, v23;
	v14 =	vadd.s32 v1, v20;
	v17 =	vld.idx.msk [tilespmem:v17+s18+$0x0], $0xffff;
	v20 =	vand.u32 $0xFFFFFF80, v22  }
0x15e: {  	v21 =	vld.idx.msk [tilespmem:v21+s17+$0x0], $0xffff;
	v14 =	vor.u32 v23, v14;
	v9 =	vmul.f32 v19, v9;
	v12 =	vadd.f32 v13, v12  }
0x15f: {  	v22 =	vand.u32 $0x7F, v22;
	v13 =	vadd.s32 v1, v20;
	v7 =	vld.idx.msk [tilespmem:v16+s18+$0x0], $0xffff;
	v16 =	vand.u32 $0xFFFFFF80, v5  }
0x160: {  	v8 =	vld.idx.msk [tilespmem:v8+s17+$0x0], $0xffff;
	v13 =	vor.u32 v22, v13;
	v10 =	vmul.f32 v18, v10;
	v9 =	vadd.f32 v9, v12  }
0x161: {  	v2 =	vor.u32 v2, v4;
	v4 =	vand.u32 $0x7F, v5;
	v1 =	vadd.s32 v1, v16;
	v5 =	vld.idx.msk [tilespmem:v15+s18+$0x0], $0xffff  }
0x162: {  	v6 =	vld.idx.msk [tilespmem:v6+s17+$0x0], $0xffff;
	v1 =	vor.u32 v4, v1;
	v4 =	vadd.f32 v10, v9;
	v9 =	vmul.f32 v17, v11  }
0x163: {  	v10 =	vld.idx.msk [tilespmem:v14+s18+$0x0], $0xffff  }
0x164: {  	v3 =	vld.idx.msk [tilespmem:v3+s17+$0x0], $0xffff;
	v7 =	vmul.f32 v7, v21;
	v4 =	vadd.f32 v9, v4  }
0x165: {  	v9 =	vld.idx.msk [tilespmem:v13+s18+$0x0], $0xffff  }
0x166: {  	v2 =	vld.idx.msk [tilespmem:v2+s17+$0x0], $0xffff;
	v5 =	vmul.f32 v5, v8;
	v4 =	vadd.f32 v7, v4  }
0x167: {  	v1 =	vld.idx.msk [tilespmem:v1+s18+$0x0], $0xffff  }
0x168: {  	v4 =	vadd.f32 v5, v4;
	v5 =	vmul.f32 v10, v6;
	_ =	sdelay $0x1  }
0x169: {  	v3 =	vmul.f32 v9, v3;
	v4 =	vadd.f32 v5, v4;
	_ =	sdelay $0x1  }
0x16a: {  	v1 =	vmul.f32 v1, v2;
	v3 =	vadd.f32 v3, v4;
	_ =	sdelay $0x1  }
0x16b: {  	v1 =	vadd.f32 v1, v3  }
0x16c: {  	s24 =	simm.s32 $0xF00  }
0x16d: {  	s26 =	simm.s32 $0x510;
	[tilespmem:s24+$0x0] =	vst v1  }
0x16e: {  	v2 =	vld [tilespmem:s26+$0x0];
	_ =	sdelay $0x1  }
0x16f: {  	s28 =	simm.s32 $0x10  }
0x170: {  	v1 =	vmov s28  }
0x171: {  	v1 =	vshll.u32 v1, $0x7  }
0x172: {  	v1 =	vor.u32 v0, v1;
	v3 =	vadd.s32 $0xE, v2;
	v4 =	vadd.s32 $0xF, v2  }
0x173: {  	v5 =	vadd.s32 $0xB, v2;
	v6 =	vadd.s32 $0xC, v2;
	v7 =	vadd.s32 $0xD, v2  }
0x174: {  	v11 =	vadd.s32 $0x8, v2;
	v9 =	vadd.s32 $0x9, v2;
	v8 =	vadd.s32 $0xA, v2  }
0x175: {  	v14 =	vadd.s32 $0x5, v2;
	v15 =	vadd.s32 $0x6, v2;
	v12 =	vadd.s32 $0x7, v2  }
0x176: {  	v20 =	vadd.s32 $0x2, v2;
	v18 =	vadd.s32 $0x3, v2;
	v16 =	vadd.s32 $0x4, v2  }
0x177: {  	v21 =	vand.u32 $0xFFFFFF80, v2;
	v29 =	vand.u32 $0x7F, v2;
	v2 =	vadd.s32 $0x1, v2  }
0x178: {  	v30 =	vand.u32 $0x7F, v3;
	v22 =	vand.u32 $0xFFFFFF80, v4;
	v4 =	vand.u32 $0x7F, v4  }
0x179: {  	v23 =	vand.u32 $0xFFFFFF80, v7;
	v31 =	vand.u32 $0x7F, v7;
	v3 =	vand.u32 $0xFFFFFF80, v3  }
0x17a: {  	v7 =	vand.u32 $0x7F, v5;
	v24 =	vand.u32 $0xFFFFFF80, v6;
	v60 =	vand.u32 $0x7F, v6  }
0x17b: {  	v6 =	vand.u32 $0xFFFFFF80, v8;
	v8 =	vand.u32 $0x7F, v8;
	v5 =	vand.u32 $0xFFFFFF80, v5  }
0x17c: {  	v10 =	vand.u32 $0x7F, v11;
	v25 =	vand.u32 $0xFFFFFF80, v9;
	v9 =	vand.u32 $0x7F, v9  }
0x17d: {  	v26 =	vand.u32 $0xFFFFFF80, v12;
	v13 =	vand.u32 $0x7F, v12;
	v11 =	vand.u32 $0xFFFFFF80, v11  }
0x17e: {  	v12 =	vand.u32 $0x7F, v14;
	v27 =	vand.u32 $0xFFFFFF80, v15;
	v17 =	vand.u32 $0x7F, v15  }
0x17f: {  	v28 =	vand.u32 $0xFFFFFF80, v16;
	v16 =	vand.u32 $0x7F, v16;
	v14 =	vand.u32 $0xFFFFFF80, v14  }
0x180: {  	v15 =	vand.u32 $0x7F, v20;
	v61 =	vand.u32 $0xFFFFFF80, v18;
	v19 =	vand.u32 $0x7F, v18  }
0x181: {  	v62 =	vand.u32 $0xFFFFFF80, v2;
	v18 =	vand.u32 $0x7F, v2;
	v2 =	vand.u32 $0xFFFFFF80, v20  }
0x182: {  	v63 =	vadd.s32 v1, v21;
	v3 =	vadd.s32 v1, v3;
	v36 =	vadd.s32 v1, v22  }
0x183: {  	v20 =	vadd.s32 v1, v5;
	v5 =	vadd.s32 v1, v24;
	v37 =	vadd.s32 v1, v23  }
0x184: {  	v21 =	vadd.s32 v1, v11;
	v11 =	vadd.s32 v1, v25;
	v24 =	vadd.s32 v1, v6  }
0x185: {  	v22 =	vadd.s32 v1, v14;
	v25 =	vadd.s32 v1, v27;
	v26 =	vadd.s32 v1, v26  }
0x186: {  	s28 =	simm.s32 $0x710;
	v23 =	vadd.s32 v1, v2;
	v27 =	vadd.s32 v1, v61;
	v28 =	vadd.s32 v1, v28  }
0x187: {  	v14 =	vor.u32 v29, v63;
	v29 =	vadd.s32 v1, v62;
	v6 =	vld [tilespmem:s28+$0x0];
	v2 =	vor.u32 v4, v36  }
0x188: {  	s29 =	simm.s32 $0x20;
	v5 =	vor.u32 v60, v5;
	v4 =	vor.u32 v31, v37;
	v3 =	vor.u32 v30, v3  }
.LBB2_6:
0x189: {  	p0 =	sne.s32 s29, $0xF0;
	v11 =	vor.u32 v9, v11;
	v9 =	vor.u32 v8, v24;
	v8 =	vor.u32 v7, v20  }
0x18a: {  	v17 =	vor.u32 v17, v25;
	v13 =	vor.u32 v13, v26;
	v20 =	vor.u32 v10, v21  }
0x18b: {  	v19 =	vor.u32 v19, v27;
	v16 =	vor.u32 v16, v28;
	v12 =	vor.u32 v12, v22  }
0x18c: {  	v18 =	vor.u32 v18, v29;
	v15 =	vor.u32 v15, v23;
	v7 =	vadd.s32 $0xF, v6  }
0x18d: {  	v21 =	vand.u32 $0xFFFFFF80, v6;
	v22 =	vadd.s32 $0xD, v6;
	v10 =	vadd.s32 $0xE, v6  }
0x18e: {  	v23 =	vand.u32 $0x7F, v6;
	v24 =	vadd.s32 $0x1, v6;
	v21 =	vadd.s32 v1, v21  }
0x18f: {  	v25 =	vadd.s32 $0xC, v6;
	v21 =	vor.u32 v23, v21;
	v23 =	vand.u32 $0xFFFFFF80, v24  }
0x190: {  	v26 =	vadd.s32 $0x2, v6;
	v24 =	vand.u32 $0x7F, v24;
	v23 =	vadd.s32 v1, v23  }
0x191: {  	s25 =	sadd.s32 $0x10, s25;
	v27 =	vadd.s32 $0xB, v6;
	v23 =	vor.u32 v24, v23;
	v24 =	vand.u32 $0xFFFFFF80, v26  }
0x192: {  	v29 =	vadd.s32 $0x3, v6;
	v26 =	vand.u32 $0x7F, v26;
	v24 =	vadd.s32 v1, v24;
	v28 =	vld [tilespmem:s25+$0x0]  }
0x193: {  	v30 =	vadd.s32 $0xA, v6;
	v24 =	vor.u32 v26, v24;
	v26 =	vand.u32 $0xFFFFFF80, v29;
	v14 =	vld.idx.msk [tilespmem:v14+s17+$0x0], $0xffff  }
0x194: {  	v31 =	vadd.s32 $0x4, v6;
	v29 =	vand.u32 $0x7F, v29;
	v26 =	vadd.s32 v1, v26;
	v21 =	vld.idx.msk [tilespmem:v21+s18+$0x0], $0xffff  }
0x195: {  	v32 =	vadd.s32 $0x9, v6;
	v26 =	vor.u32 v29, v26;
	v29 =	vand.u32 $0xFFFFFF80, v31;
	v18 =	vld.idx.msk [tilespmem:v18+s17+$0x0], $0xffff  }
0x196: {  	v33 =	vadd.s32 $0x5, v6;
	v31 =	vand.u32 $0x7F, v31;
	v29 =	vadd.s32 v1, v29;
	v23 =	vld.idx.msk [tilespmem:v23+s18+$0x0], $0xffff  }
0x197: {  	v34 =	vadd.s32 $0x8, v6;
	v29 =	vor.u32 v31, v29;
	v31 =	vand.u32 $0xFFFFFF80, v33;
	v15 =	vld.idx.msk [tilespmem:v15+s17+$0x0], $0xffff  }
0x198: {  	v35 =	vadd.s32 $0x6, v6;
	v33 =	vand.u32 $0x7F, v33;
	v31 =	vadd.s32 v1, v31;
	v24 =	vld.idx.msk [tilespmem:v24+s18+$0x0], $0xffff  }
0x199: {  	v6 =	vadd.s32 $0x7, v6;
	v31 =	vor.u32 v33, v31;
	v33 =	vand.u32 $0xFFFFFF80, v35;
	v19 =	vld.idx.msk [tilespmem:v19+s17+$0x0], $0xffff  }
0x19a: {  	v14 =	vmul.f32 v21, v14;
	v33 =	vadd.s32 v1, v33;
	v21 =	vld.idx.msk [tilespmem:v26+s18+$0x0], $0xffff;
	v26 =	vand.u32 $0x7F, v35  }
0x19b: {  	v16 =	vld.idx.msk [tilespmem:v16+s17+$0x0], $0xffff;
	v26 =	vor.u32 v26, v33;
	v33 =	vand.u32 $0xFFFFFF80, v6;
	v6 =	vand.u32 $0x7F, v6  }
0x19c: {  	v14 =	vadd.f32 v14, v28;
	v18 =	vmul.f32 v23, v18;
	v23 =	vld.idx.msk [tilespmem:v29+s18+$0x0], $0xffff;
	v28 =	vadd.s32 v1, v33  }
0x19d: {  	v29 =	vand.u32 $0x7F, v34;
	v12 =	vld.idx.msk [tilespmem:v12+s17+$0x0], $0xffff;
	v6 =	vor.u32 v6, v28;
	v28 =	vand.u32 $0xFFFFFF80, v34  }
0x19e: {  	v14 =	vadd.f32 v18, v14;
	v15 =	vmul.f32 v24, v15;
	v18 =	vld.idx.msk [tilespmem:v31+s18+$0x0], $0xffff;
	v24 =	vadd.s32 v1, v28  }
0x19f: {  	v28 =	vand.u32 $0xFFFFFF80, v32;
	v17 =	vld.idx.msk [tilespmem:v17+s17+$0x0], $0xffff;
	v24 =	vor.u32 v29, v24;
	v29 =	vand.u32 $0x7F, v32  }
0x1a0: {  	v14 =	vadd.f32 v15, v14;
	v15 =	vmul.f32 v21, v19;
	v21 =	vadd.s32 v1, v28;
	v19 =	vld.idx.msk [tilespmem:v26+s18+$0x0], $0xffff  }
0x1a1: {  	v28 =	vand.u32 $0x7F, v30;
	v21 =	vor.u32 v29, v21;
	v26 =	vand.u32 $0xFFFFFF80, v30;
	v13 =	vld.idx.msk [tilespmem:v13+s17+$0x0], $0xffff  }
0x1a2: {  	v14 =	vadd.f32 v15, v14;
	v15 =	vmul.f32 v23, v16;
	v16 =	vadd.s32 v1, v26;
	v6 =	vld.idx.msk [tilespmem:v6+s18+$0x0], $0xffff  }
0x1a3: {  	v23 =	vand.u32 $0xFFFFFF80, v27;
	v26 =	vand.u32 $0x7F, v27;
	v16 =	vor.u32 v28, v16;
	v20 =	vld.idx.msk [tilespmem:v20+s17+$0x0], $0xffff  }
0x1a4: {  	v14 =	vadd.f32 v15, v14;
	v12 =	vmul.f32 v18, v12;
	v18 =	vadd.s32 v1, v23;
	v15 =	vld.idx.msk [tilespmem:v24+s18+$0x0], $0xffff  }
0x1a5: {  	v23 =	vand.u32 $0xFFFFFF80, v25;
	v18 =	vor.u32 v26, v18;
	v24 =	vand.u32 $0x7F, v25;
	v11 =	vld.idx.msk [tilespmem:v11+s17+$0x0], $0xffff  }
0x1a6: {  	v12 =	vadd.f32 v12, v14;
	v14 =	vmul.f32 v19, v17;
	v19 =	vadd.s32 v1, v23;
	v17 =	vld.idx.msk [tilespmem:v21+s18+$0x0], $0xffff  }
0x1a7: {  	v19 =	vor.u32 v24, v19;
	v21 =	vand.u32 $0xFFFFFF80, v22;
	v22 =	vand.u32 $0x7F, v22;
	v9 =	vld.idx.msk [tilespmem:v9+s17+$0x0], $0xffff  }
0x1a8: {  	v12 =	vadd.f32 v14, v12;
	v6 =	vmul.f32 v6, v13;
	v14 =	vadd.s32 v1, v21;
	v13 =	vld.idx.msk [tilespmem:v16+s18+$0x0], $0xffff  }
0x1a9: {  	v14 =	vor.u32 v22, v14;
	v16 =	vand.u32 $0xFFFFFF80, v10;
	v10 =	vand.u32 $0x7F, v10;
	v8 =	vld.idx.msk [tilespmem:v8+s17+$0x0], $0xffff  }
0x1aa: {  	v6 =	vadd.f32 v6, v12;
	v12 =	vmul.f32 v15, v20;
	v16 =	vadd.s32 v1, v16;
	v15 =	vld.idx.msk [tilespmem:v18+s18+$0x0], $0xffff  }
0x1ab: {  	v10 =	vor.u32 v10, v16;
	v16 =	vand.u32 $0xFFFFFF80, v7;
	v7 =	vand.u32 $0x7F, v7;
	v5 =	vld.idx.msk [tilespmem:v5+s17+$0x0], $0xffff  }
0x1ac: {  	v6 =	vadd.f32 v12, v6;
	v11 =	vmul.f32 v17, v11;
	v1 =	vadd.s32 v1, v16;
	v12 =	vld.idx.msk [tilespmem:v19+s18+$0x0], $0xffff  }
0x1ad: {  	v1 =	vor.u32 v7, v1;
	v4 =	vld.idx.msk [tilespmem:v4+s17+$0x0], $0xffff  }
0x1ae: {  	v6 =	vadd.f32 v11, v6;
	v7 =	vmul.f32 v13, v9;
	v9 =	vld.idx.msk [tilespmem:v14+s18+$0x0], $0xffff  }
0x1af: {  	v3 =	vld.idx.msk [tilespmem:v3+s17+$0x0], $0xffff  }
0x1b0: {  	v6 =	vadd.f32 v7, v6;
	v7 =	vmul.f32 v15, v8;
	v8 =	vld.idx.msk [tilespmem:v10+s18+$0x0], $0xffff  }
0x1b1: {  	v2 =	vld.idx.msk [tilespmem:v2+s17+$0x0], $0xffff  }
0x1b2: {  	v6 =	vadd.f32 v7, v6;
	v5 =	vmul.f32 v12, v5;
	v1 =	vld.idx.msk [tilespmem:v1+s18+$0x0], $0xffff;
	_ =	sdelay $0x1  }
0x1b3: {  	v5 =	vadd.f32 v5, v6;
	v4 =	vmul.f32 v9, v4;
	_ =	sdelay $0x1  }
0x1b4: {  	v4 =	vadd.f32 v4, v5;
	v3 =	vmul.f32 v8, v3;
	_ =	sdelay $0x1  }
0x1b5: {  	v3 =	vadd.f32 v3, v4;
	v1 =	vmul.f32 v1, v2;
	_ =	sdelay $0x1  }
0x1b6: {  	v1 =	vadd.f32 v1, v3  }
0x1b7: {  	s24 =	sadd.s32 $0x10, s24  }
0x1b8: {  	s26 =	sadd.s32 $0x10, s26;
	[tilespmem:s24+$0x0] =	vst v1  }
0x1b9: {  	v2 =	vld [tilespmem:s26+$0x0];
	_ =	sdelay $0x2  }
0x1ba: {  	v1 =	vmov s29  }
0x1bb: {  	v1 =	vshll.u32 v1, $0x7  }
0x1bc: {  	v1 =	vor.u32 v0, v1;
	v3 =	vadd.s32 $0xE, v2;
	v4 =	vadd.s32 $0xF, v2  }
0x1bd: {  	v5 =	vadd.s32 $0xB, v2;
	v6 =	vadd.s32 $0xC, v2;
	v7 =	vadd.s32 $0xD, v2  }
0x1be: {  	v11 =	vadd.s32 $0x8, v2;
	v9 =	vadd.s32 $0x9, v2;
	v8 =	vadd.s32 $0xA, v2  }
0x1bf: {  	v14 =	vadd.s32 $0x5, v2;
	v15 =	vadd.s32 $0x6, v2;
	v12 =	vadd.s32 $0x7, v2  }
0x1c0: {  	v20 =	vadd.s32 $0x2, v2;
	v18 =	vadd.s32 $0x3, v2;
	v16 =	vadd.s32 $0x4, v2  }
0x1c1: {  	v21 =	vand.u32 $0xFFFFFF80, v2;
	v29 =	vand.u32 $0x7F, v2;
	v2 =	vadd.s32 $0x1, v2  }
0x1c2: {  	v30 =	vand.u32 $0x7F, v3;
	v22 =	vand.u32 $0xFFFFFF80, v4;
	v4 =	vand.u32 $0x7F, v4  }
0x1c3: {  	v23 =	vand.u32 $0xFFFFFF80, v7;
	v31 =	vand.u32 $0x7F, v7;
	v3 =	vand.u32 $0xFFFFFF80, v3  }
0x1c4: {  	v7 =	vand.u32 $0x7F, v5;
	v24 =	vand.u32 $0xFFFFFF80, v6;
	v32 =	vand.u32 $0x7F, v6  }
0x1c5: {  	v6 =	vand.u32 $0xFFFFFF80, v8;
	v8 =	vand.u32 $0x7F, v8;
	v5 =	vand.u32 $0xFFFFFF80, v5  }
0x1c6: {  	v10 =	vand.u32 $0x7F, v11;
	v25 =	vand.u32 $0xFFFFFF80, v9;
	v9 =	vand.u32 $0x7F, v9  }
0x1c7: {  	v26 =	vand.u32 $0xFFFFFF80, v12;
	v13 =	vand.u32 $0x7F, v12;
	v11 =	vand.u32 $0xFFFFFF80, v11  }
0x1c8: {  	v12 =	vand.u32 $0x7F, v14;
	v27 =	vand.u32 $0xFFFFFF80, v15;
	v17 =	vand.u32 $0x7F, v15  }
0x1c9: {  	v28 =	vand.u32 $0xFFFFFF80, v16;
	v16 =	vand.u32 $0x7F, v16;
	v14 =	vand.u32 $0xFFFFFF80, v14  }
0x1ca: {  	v15 =	vand.u32 $0x7F, v20;
	v33 =	vand.u32 $0xFFFFFF80, v18;
	v19 =	vand.u32 $0x7F, v18  }
0x1cb: {  	v34 =	vand.u32 $0xFFFFFF80, v2;
	v18 =	vand.u32 $0x7F, v2;
	v2 =	vand.u32 $0xFFFFFF80, v20  }
0x1cc: {  	v35 =	vadd.s32 v1, v21;
	v3 =	vadd.s32 v1, v3;
	v36 =	vadd.s32 v1, v22  }
0x1cd: {  	v20 =	vadd.s32 v1, v5;
	v5 =	vadd.s32 v1, v24;
	v37 =	vadd.s32 v1, v23  }
.Ltmp2:
0x1ce: {  	v21 =	vadd.s32 v1, v11;
	v11 =	vadd.s32 v1, v25;
	v24 =	vadd.s32 v1, v6;
	(pc) =	sbr.rel @p0 .LBB2_6-.Ltmp2, $4  }
0x1cf: {  	v22 =	vadd.s32 v1, v14;
	v25 =	vadd.s32 v1, v27;
	v26 =	vadd.s32 v1, v26  }
0x1d0: {  	s28 =	sadd.s32 $0x10, s28;
	v23 =	vadd.s32 v1, v2;
	v27 =	vadd.s32 v1, v33;
	v28 =	vadd.s32 v1, v28  }
0x1d1: {  	v14 =	vor.u32 v29, v35;
	v29 =	vadd.s32 v1, v34;
	v2 =	vor.u32 v4, v36;
	v6 =	vld [tilespmem:s28+$0x0]  }
0x1d2: {  	s29 =	sadd.s32 $0x10, s29;
	v5 =	vor.u32 v32, v5;
	v4 =	vor.u32 v31, v37;
	v3 =	vor.u32 v30, v3  }
0x1d3: {  	v9 =	vor.u32 v9, v11  }
0x1d4: {  	v8 =	vor.u32 v8, v24;
	v7 =	vor.u32 v7, v20;
	v45 =	vor.u32 v17, v25  }
0x1d5: {  	v13 =	vor.u32 v13, v26;
	v10 =	vor.u32 v10, v21;
	v46 =	vor.u32 v19, v27  }
0x1d6: {  	v16 =	vor.u32 v16, v28;
	v12 =	vor.u32 v12, v22;
	v18 =	vor.u32 v18, v29  }
0x1d7: {  	v15 =	vor.u32 v15, v23;
	v47 =	vand.u32 $0xFFFFFF80, v6;
	v20 =	vadd.s32 $0xD, v6  }
0x1d8: {  	v21 =	vadd.s32 $0xE, v6;
	v48 =	vand.u32 $0x7F, v6;
	v49 =	vadd.s32 $0x1, v6  }
0x1d9: {  	v24 =	vadd.s32 $0xC, v6;
	v51 =	vadd.s32 $0x2, v6;
	v19 =	vadd.s32 v1, v47  }
0x1da: {  	v53 =	vadd.s32 $0xB, v6;
	v50 =	vand.u32 $0xFFFFFF80, v49;
	v19 =	vor.u32 v48, v19  }
0x1db: {  	v54 =	vadd.s32 $0x3, v6;
	v23 =	vand.u32 $0x7F, v49;
	v22 =	vadd.s32 v1, v50  }
0x1dc: {  	v57 =	vadd.s32 $0xA, v6;
	v52 =	vand.u32 $0xFFFFFF80, v51;
	v22 =	vor.u32 v23, v22  }
0x1dd: {  	s25 =	sadd.s32 $0x10, s25;
	v14 =	vld.idx.msk [tilespmem:v14+s17+$0x0], $0xffff;
	v30 =	vadd.s32 $0x4, v6;
	v25 =	vand.u32 $0x7F, v51;
	v23 =	vadd.s32 v1, v52  }
0x1de: {  	v55 =	vld [tilespmem:s25+$0x0];
	v31 =	vadd.s32 $0x9, v6;
	v56 =	vand.u32 $0xFFFFFF80, v54;
	v23 =	vor.u32 v25, v23  }
0x1df: {  	v32 =	vadd.s32 $0x5, v6;
	v27 =	vand.u32 $0x7F, v54;
	v25 =	vadd.s32 v1, v56;
	v19 =	vld.idx.msk [tilespmem:v19+s18+$0x0], $0xffff  }
0x1e0: {  	v33 =	vadd.s32 $0x8, v6;
	v58 =	vand.u32 $0xFFFFFF80, v30;
	v18 =	vld.idx.msk [tilespmem:v18+s17+$0x0], $0xffff;
	v25 =	vor.u32 v27, v25  }
0x1e1: {  	v34 =	vadd.s32 $0x6, v6;
	v30 =	vand.u32 $0x7F, v30;
	v27 =	vadd.s32 v1, v58;
	v22 =	vld.idx.msk [tilespmem:v22+s18+$0x0], $0xffff  }
0x1e2: {  	v35 =	vadd.s32 $0x7, v6;
	v59 =	vand.u32 $0xFFFFFF80, v32;
	v15 =	vld.idx.msk [tilespmem:v15+s17+$0x0], $0xffff;
	v27 =	vor.u32 v30, v27  }
0x1e3: {  	v32 =	vand.u32 $0x7F, v32;
	v60 =	vand.u32 $0xFFFFFF80, v34;
	v30 =	vadd.s32 v1, v59;
	v23 =	vld.idx.msk [tilespmem:v23+s18+$0x0], $0xffff  }
0x1e4: {  	v61 =	vand.u32 $0x7F, v34;
	v17 =	vld.idx.msk [tilespmem:v46+s17+$0x0], $0xffff;
	v30 =	vor.u32 v32, v30;
	v14 =	vmul.f32 v19, v14  }
0x1e5: {  	v62 =	vand.u32 $0xFFFFFF80, v35;
	v63 =	vand.u32 $0x7F, v35;
	v32 =	vadd.s32 v1, v60;
	v25 =	vld.idx.msk [tilespmem:v25+s18+$0x0], $0xffff  }
0x1e6: {  	v16 =	vld.idx.msk [tilespmem:v16+s17+$0x0], $0xffff;
	v19 =	vor.u32 v61, v32;
	v18 =	vmul.f32 v22, v18;
	v14 =	vadd.f32 v14, v55  }
0x1e7: {  	v36 =	vand.u32 $0xFFFFFF80, v33;
	v37 =	vand.u32 $0x7F, v33;
	v35 =	vadd.s32 v1, v62;
	v27 =	vld.idx.msk [tilespmem:v27+s18+$0x0], $0xffff  }
0x1e8: {  	v12 =	vld.idx.msk [tilespmem:v12+s17+$0x0], $0xffff;
	v22 =	vor.u32 v63, v35;
	v15 =	vmul.f32 v23, v15;
	v14 =	vadd.f32 v18, v14  }
0x1e9: {  	v40 =	vand.u32 $0xFFFFFF80, v31;
	v41 =	vand.u32 $0x7F, v31;
	v38 =	vadd.s32 v1, v36;
	v39 =	vld.idx.msk [tilespmem:v30+s18+$0x0], $0xffff  }
0x1ea: {  	v11 =	vld.idx.msk [tilespmem:v45+s17+$0x0], $0xffff;
	v42 =	vmul.f32 v25, v17;
	v18 =	vor.u32 v37, v38;
	v14 =	vadd.f32 v15, v14  }
0x1eb: {  	v44 =	vand.u32 $0xFFFFFF80, v57;
	v26 =	vand.u32 $0x7F, v53;
	v43 =	vadd.s32 v1, v40;
	v19 =	vld.idx.msk [tilespmem:v19+s18+$0x0], $0xffff  }
0x1ec: {  	v13 =	vld.idx.msk [tilespmem:v13+s17+$0x0], $0xffff;
	v17 =	vor.u32 v41, v43;
	v46 =	vmul.f32 v27, v16;
	v14 =	vadd.f32 v42, v14  }
0x1ed: {  	v45 =	vand.u32 $0x7F, v57;
	v47 =	vadd.s32 v1, v44;
	v48 =	vand.u32 $0xFFFFFF80, v53;
	v22 =	vld.idx.msk [tilespmem:v22+s18+$0x0], $0xffff  }
0x1ee: {  	v10 =	vld.idx.msk [tilespmem:v10+s17+$0x0], $0xffff;
	v16 =	vor.u32 v45, v47;
	v12 =	vmul.f32 v39, v12;
	v14 =	vadd.f32 v46, v14  }
0x1ef: {  	v50 =	vand.u32 $0xFFFFFF80, v24;
	v24 =	vand.u32 $0x7F, v24;
	v49 =	vadd.s32 v1, v48;
	v18 =	vld.idx.msk [tilespmem:v18+s18+$0x0], $0xffff  }
0x1f0: {  	v9 =	vld.idx.msk [tilespmem:v9+s17+$0x0], $0xffff;
	v15 =	vor.u32 v26, v49;
	v11 =	vmul.f32 v19, v11;
	v12 =	vadd.f32 v12, v14  }
0x1f1: {  	v51 =	vadd.s32 v1, v50;
	v52 =	vand.u32 $0xFFFFFF80, v20;
	v20 =	vand.u32 $0x7F, v20;
	v17 =	vld.idx.msk [tilespmem:v17+s18+$0x0], $0xffff  }
0x1f2: {  	v8 =	vld.idx.msk [tilespmem:v8+s17+$0x0], $0xffff;
	v53 =	vmul.f32 v22, v13;
	v14 =	vor.u32 v24, v51;
	v11 =	vadd.f32 v11, v12  }
0x1f3: {  	v54 =	vadd.s32 v1, v52;
	v58 =	vadd.s32 $0xF, v6;
	v55 =	vand.u32 $0xFFFFFF80, v21;
	v16 =	vld.idx.msk [tilespmem:v16+s18+$0x0], $0xffff  }
0x1f4: {  	v7 =	vld.idx.msk [tilespmem:v7+s17+$0x0], $0xffff;
	v13 =	vor.u32 v20, v54;
	v10 =	vmul.f32 v18, v10;
	v11 =	vadd.f32 v53, v11  }
0x1f5: {  	v56 =	vand.u32 $0x7F, v21;
	v59 =	vand.u32 $0xFFFFFF80, v58;
	v57 =	vadd.s32 v1, v55;
	v15 =	vld.idx.msk [tilespmem:v15+s18+$0x0], $0xffff  }
0x1f6: {  	v5 =	vld.idx.msk [tilespmem:v5+s17+$0x0], $0xffff;
	v9 =	vmul.f32 v17, v9;
	v12 =	vor.u32 v56, v57;
	v10 =	vadd.f32 v10, v11  }
0x1f7: {  	v6 =	vand.u32 $0x7F, v58;
	v1 =	vadd.s32 v1, v59;
	v60 =	vld.idx.msk [tilespmem:v14+s18+$0x0], $0xffff  }
0x1f8: {  	v4 =	vld.idx.msk [tilespmem:v4+s17+$0x0], $0xffff;
	v1 =	vor.u32 v6, v1;
	v8 =	vmul.f32 v16, v8;
	v61 =	vadd.f32 v9, v10  }
0x1f9: {  	v62 =	vld.idx.msk [tilespmem:v13+s18+$0x0], $0xffff  }
0x1fa: {  	v3 =	vld.idx.msk [tilespmem:v3+s17+$0x0], $0xffff;
	v7 =	vmul.f32 v15, v7;
	v6 =	vadd.f32 v8, v61  }
0x1fb: {  	v63 =	vld.idx.msk [tilespmem:v12+s18+$0x0], $0xffff  }
0x1fc: {  	v2 =	vld.idx.msk [tilespmem:v2+s17+$0x0], $0xffff;
	v5 =	vmul.f32 v60, v5;
	v6 =	vadd.f32 v7, v6  }
0x1fd: {  	v1 =	vld.idx.msk [tilespmem:v1+s18+$0x0], $0xffff  }
0x1fe: {  	v4 =	vmul.f32 v62, v4;
	v5 =	vadd.f32 v5, v6;
	_ =	sdelay $0x1  }
0x1ff: {  	v3 =	vmul.f32 v63, v3;
	v4 =	vadd.f32 v4, v5;
	_ =	sdelay $0x1  }
0x200: {  	v1 =	vmul.f32 v1, v2;
	v3 =	vadd.f32 v3, v4;
	_ =	sdelay $0x1  }
0x201: {  	s23 =	sadd.s32 $0x1, s23;
	v1 =	vadd.f32 v1, v3  }
0x202: {  	s24 =	sadd.s32 $0x10, s24;
	p0 =	sne.s32 s23, s9  }
.Ltmp3:
0x203: {  	[tilespmem:s24+$0x0] =	vst v1;
	(pc) =	sbr.rel @p0 .LBB2_1-.Ltmp3, $4  }
0x204: {  	[hbm4b:s8+s3] =	stream.linear.scatter [tilespmem:s22], [sflag:$0x4], $0x200, $0x38;
	[tilespmem:$0x11000] =	vst v63  }
0x205: {  	_ =	swait.ge [sflag:s11], $0x200  }
0x206: {  	[sflag:s11] =	ssyncset.done $0x0  }
0x207: {  	[sflag:s11] =	ssyncadd.s32 $0xFFFFFE00  }
0x208: {  	_ =	sfence.sel $0x180000  }
0x209: {  	[bflag:$0x0] =	sbarrier.arrive $0xFFFF  }
0x20a: {  	p0 =	sne.s32 s2, $0x0;
	_ =	strace $0x90000047  }
0x20b: {  	s0 =	sadd.s32 @!p0 $0x100000, s0;
	[bflag:$0x2] =	sbarrier.arrive $0xFFFF  }
0x20c: {  	[sflag:s0] =	ssyncadd.tile.s32 @!p0 $0x1;
	_ =	shalt  }
.Lfunc_end2:
_tile_overlayer_lowered:
.L_overlay_start_2:
0x20d: {  	(tag) =	ssettag $0x2  }
0x20e: {  	s0 =	rddreg [dreg:$0x0];
	s2 =	stileid.u32  }
0x20f: {  	s1 =	rddreg [dreg:$0x1];
	p0 =	sne.s32 s2, $0x0  }
0x210: {  	s3 =	rddreg [dreg:$0x2];
	[bflag:$0x3] =	sbarrier.arrive $0xFFFF;
	s2 =	simm.s32 @!p0 $0x1C04  }
0x211: {  	[timem:s3], [sflag:s2] =	dma.local @!p0 [hbm:s0], s1  }
0x212: {  	s0 =	simm.s32 @!p0 $0x4  }
0x213: {  	_ =	swait.ge @!p0 [sflag:s0], s1  }
0x214: {  	s1 =	ssub.s32 @!p0 $0x0, s1;
	[sflag:s0] =	ssyncset.done @!p0 $0x0  }
0x215: {  	[sflag:s0] =	ssyncadd.s32 @!p0 s1  }
0x216: {  	[bflag:$0x3] =	sbarrier.arrive $0xFFFF  }
0x217: {  	_ =	shalt  }

</sc_bundles>
